<compile_context>
chip_gen: v7x
topology: tpu7x:2x2x1
jax: 0.10.2.dev20260603
libtpu: 0.0.44.dev20260713+nightly
codegen_flags: <defaults>
</compile_context>

<pallas_src>
import functools

import jax
import jax.numpy as jnp
from jax import lax
from jax.experimental import pallas as pl
from jax.experimental.pallas import tpu as pltpu
from jax.experimental.pallas import tpu_sc as plsc

_H = 8
_DH = 16
_TQ = 128
_TK = 256
_TW = 384
_BAND = 64


_NC = 2


def _attn_chunk(t0, mc_ref, xs_ref, pos_ref, wq_ref, wk_ref, wv_ref):
    S = xs_ref.shape[1]
    D = xs_ref.shape[2]
    w0 = pl.multiple_of(jnp.clip(t0 - (_TK - _TQ) // 2, 0, S - _TK), 64)

    qx = xs_ref[0, pl.ds(t0, _TQ), :]
    xw = xs_ref[0, pl.ds(w0, _TK), :]
    q = jnp.dot(qx, wq_ref[...], preferred_element_type=jnp.float32)
    k = jnp.dot(xw, wk_ref[...], preferred_element_type=jnp.float32)
    v = jnp.dot(xw, wv_ref[...], preferred_element_type=jnp.float32)

    pqc = pos_ref[0, pl.ds(t0, _TQ), :]
    pkc = pos_ref[0, pl.ds(w0, _TK), :]
    ii = lax.broadcasted_iota(jnp.int32, (_TK, _TK), 0)
    jj = lax.broadcasted_iota(jnp.int32, (_TK, _TK), 1)
    eye = (ii == jj).astype(jnp.float32)
    pk = lax.dot_general(pkc, eye, (((0,), (0,)), ((), ())),
                         preferred_element_type=jnp.float32)

    eq = pqc == pk
    bias = jnp.where(eq, 0.0, -1e30)
    cnt = jnp.sum(eq.astype(jnp.float32), axis=1, keepdims=True)
    mc = mc_ref[0, 0].astype(jnp.float32)

    lane = lax.broadcasted_iota(jnp.int32, (_TQ, D), 1) // _DH
    qm = jnp.concatenate([jnp.where(lane == h, q, 0.0) for h in range(_H)],
                         axis=0)
    s = lax.dot_general(qm, k, (((1,), (1,)), ((), ())),
                        preferred_element_type=jnp.float32)
    e = jnp.exp(s + jnp.concatenate([bias] * _H, axis=0))
    cnt_t = jnp.concatenate([cnt] * _H, axis=0)
    denom = jnp.sum(e, axis=1, keepdims=True) + (mc - cnt_t)
    rd = 1.0 / denom
    cs = jnp.dot(e, v, preferred_element_type=jnp.float32)
    ctx = jnp.zeros((_TQ, D), jnp.float32)
    for h in range(_H):
        ph = cs[h * _TQ:(h + 1) * _TQ] * rd[h * _TQ:(h + 1) * _TQ]
        ctx = ctx + jnp.where(lane == h, ph, 0.0)
    return ctx


def _attn_body(mc_ref, xs_ref, pos_ref, wq_ref, wk_ref, wv_ref, w0_ref, ys_ref):
    base = pl.multiple_of(pl.program_id(1) * (_NC * _TQ), _NC * _TQ)
    ctxs = [_attn_chunk(pl.multiple_of(base + c * _TQ, _TQ), mc_ref, xs_ref,
                        pos_ref, wq_ref, wk_ref, wv_ref)
            for c in range(_NC)]
    ys_ref[0] = jnp.dot(jnp.concatenate(ctxs, axis=0), w0_ref[...],
                        preferred_element_type=jnp.float32)


def _banded_attention(mc, xs, spf, Wq, Wk, Wv, W0):
    B, S, D = xs.shape
    grid = (B, S // (_NC * _TQ))
    return pl.pallas_call(
        _attn_body,
        grid=grid,
        in_specs=[
            pl.BlockSpec(memory_space=pltpu.SMEM),
            pl.BlockSpec((1, S, D), lambda b, t: (b, 0, 0)),
            pl.BlockSpec((1, S, 1), lambda b, t: (b, 0, 0)),
            pl.BlockSpec((D, D), lambda b, t: (0, 0)),
            pl.BlockSpec((D, D), lambda b, t: (0, 0)),
            pl.BlockSpec((D, D), lambda b, t: (0, 0)),
            pl.BlockSpec((D, D), lambda b, t: (0, 0)),
        ],
        out_specs=pl.BlockSpec((1, _NC * _TQ, D), lambda b, t: (b, t, 0)),
        out_shape=jax.ShapeDtypeStruct((B, S, D), jnp.float32),
    )(mc, xs, spf, Wq, Wk, Wv, W0)


def _sc_gather(table, idx):
    N, D = table.shape
    NW = 32
    CH = 128
    per_w = N // NW
    nch = per_w // CH
    idx3 = idx.reshape(NW, nch, CH)
    mesh = plsc.VectorSubcoreMesh(core_axis_name="c", subcore_axis_name="s")

    @functools.partial(
        pl.kernel, mesh=mesh,
        out_type=jax.ShapeDtypeStruct((N, D), jnp.float32),
        scratch_types=[
            pltpu.VMEM((nch, CH), jnp.int32),
            pltpu.VMEM((nch, CH, D), jnp.float32),
            pltpu.SemaphoreType.DMA,
        ],
    )
    def k(table_hbm, idx_hbm, out_hbm, idx_v, rows_v, sem):
        wid = lax.axis_index("s") * 2 + lax.axis_index("c")
        base = wid * per_w
        pltpu.sync_copy(idx_hbm.at[wid], idx_v)
        cps = [pltpu.async_copy(table_hbm.at[idx_v.at[j]], rows_v.at[j], sem)
               for j in range(nch)]
        for j in range(nch):
            cps[j].wait()
            pltpu.sync_copy(rows_v.at[j], out_hbm.at[pl.ds(base + j * CH, CH)])

    return k(table, idx3)


_TA = 256


def _maxgrp_body(pos_ref, mc_ref):
    S = pos_ref.shape[1]
    b = pl.program_id(0)
    t = pl.program_id(1)
    i0 = pl.multiple_of(t * _TA, _TA)
    a0 = pl.multiple_of(jnp.clip(i0 - 64, 0, S - _TW), 64)
    pqc = pos_ref[0, pl.ds(i0, _TA), :]
    pwc = pos_ref[0, pl.ds(a0, _TW), :]
    ii = lax.broadcasted_iota(jnp.int32, (_TW, _TW), 0)
    jj = lax.broadcasted_iota(jnp.int32, (_TW, _TW), 1)
    eye = (ii == jj).astype(jnp.float32)
    pw = lax.dot_general(pwc, eye, (((0,), (0,)), ((), ())),
                         preferred_element_type=jnp.float32)
    cnt = jnp.sum((pqc == pw).astype(jnp.int32), axis=1)
    mo = jnp.max(cnt)

    @pl.when((b == 0) & (t == 0))
    def _init():
        mc_ref[0, 0] = mo

    @pl.when(jnp.logical_not((b == 0) & (t == 0)))
    def _acc():
        mc_ref[0, 0] = jnp.maximum(mc_ref[0, 0], mo)


def _max_group(spf):
    B = spf.shape[0]
    S = spf.shape[1]
    return pl.pallas_call(
        _maxgrp_body,
        grid=(B, S // _TA),
        in_specs=[pl.BlockSpec((1, S, 1), lambda b, t: (b, 0, 0))],
        out_specs=pl.BlockSpec(memory_space=pltpu.SMEM),
        out_shape=jax.ShapeDtypeStruct((1, 1), jnp.int32),
    )(spf)


def kernel(embeddings, positions, Wq, Wk, Wv, W0):
    B, S, D = embeddings.shape
    perm = jnp.argsort(positions, axis=1).astype(jnp.int32)
    inv = jnp.argsort(perm, axis=1).astype(jnp.int32)
    sp = jnp.take_along_axis(positions, perm, axis=1)
    spf = sp.astype(jnp.float32).reshape(B, S, 1)

    row = (jnp.arange(B, dtype=jnp.int32) * S)[:, None]
    xs = _sc_gather(embeddings.reshape(B * S, D),
                    (perm + row).reshape(-1)).reshape(B, S, D)
    mc = _max_group(spf)
    ys = _banded_attention(mc, xs, spf, Wq * (1.0 / jnp.sqrt(_DH)),
                           Wk, Wv, W0)
    return _sc_gather(ys.reshape(B * S, D),
                      (inv + row).reshape(-1)).reshape(B, S, D)

# --- scband reference (transcript-rebuilt; emitter-appended) ---
"""Pipeline reference for scband-positionwise-self-attention-31756988187109 (READ-ONLY COPY).

The authoritative reference and input builder live on the scoring server;
editing this copy changes nothing except your own understanding.
"""

import jax, jax.numpy as jnp
import numpy as np

NUM_HEADS = 8

def _build_maps(positions):
    pos = np.asarray(positions)
    B, S = pos.shape
    combos = {}
    src_b = []; src_i = []; dst_r = []; dst_j = []
    out_idx = 0
    max_cnt = 0
    for b in range(B):
        pc = {}
        for i in range(S):
            p = int(pos[b, i])
            if p == -1:
                continue
            if p not in pc:
                pc[p] = 0
            else:
                pc[p] += 1
            if (b, p) not in combos:
                combos[(b, p)] = out_idx
                out_idx += 1
            src_b.append(b); src_i.append(i)
            dst_r.append(combos[(b, p)]); dst_j.append(pc[p])
        if pc:
            max_cnt = max(max_cnt, max(pc.values()) + 1)
    return (np.asarray(src_b), np.asarray(src_i), np.asarray(dst_r), np.asarray(dst_j), out_idx, max_cnt)

def setup_inputs(seed: int = 0):
    key = jax.random.key(seed)
    k1, k2, k3, k4, k5, k6 = jax.random.split(key, 6)
    B, S, D = 8, 2048, 128
    embeddings = jax.random.normal(k1, (B, S, D), dtype=jnp.float32)
    positions = jax.random.randint(k2, (B, S), 0, 512, dtype=jnp.int32)
    a = float(np.sqrt(6.0 / D))
    Wq = jax.random.uniform(k3, (D, D), dtype=jnp.float32, minval=-a, maxval=a)
    Wk = jax.random.uniform(k4, (D, D), dtype=jnp.float32, minval=-a, maxval=a)
    Wv = jax.random.uniform(k5, (D, D), dtype=jnp.float32, minval=-a, maxval=a)
    W0 = jax.random.uniform(k6, (D, D), dtype=jnp.float32, minval=-a, maxval=a)
    return {"embeddings": embeddings, "positions": positions, "Wq": Wq, "Wk": Wk, "Wv": Wv, "W0": W0}

def reference(embeddings, positions, Wq, Wk, Wv, W0):
    B, S, D = embeddings.shape
    H = NUM_HEADS
    dh = D // H
    scale = float(np.sqrt(dh))
    P = 512
    MAXC = 64
    R = B * P
    valid = positions >= 0
    eq = (positions[:, :, None] == positions[:, None, :]) & valid[:, None, :]
    tri = jnp.tril(jnp.ones((S, S), dtype=bool), -1)
    occ = jnp.sum(eq & tri[None, :, :], axis=-1).astype(jnp.int32)
    max_cnt = jnp.max(jnp.where(valid, occ, -1)) + 1
    bidx = jnp.arange(B, dtype=jnp.int32)[:, None]
    r_idx = jnp.where(valid, bidx * P + positions, R)
    j_idx = jnp.minimum(occ, MAXC - 1)
    # reshape_by_position_and_track: scatter tokens into (group_row, slot) layout, zero-padded
    grouped = jnp.zeros((R + 1, MAXC, D), dtype=embeddings.dtype)
    grouped = grouped.at[r_idx, j_idx].set(embeddings)
    # MultiHeadSelfAttention over each group (no mask, padded zeros attend, faithful to torch code)
    def heads(x, W):
        y = x @ W
        return y.reshape(R + 1, MAXC, H, dh).transpose(0, 2, 1, 3)
    q = heads(grouped, Wq)
    k = heads(grouped, Wk)
    v = heads(grouped, Wv)
    scores = jnp.einsum('rhtd,rhsd->rhts', q, k) / scale
    slot_live = jnp.arange(MAXC) < max_cnt
    scores = jnp.where(slot_live[None, None, None, :], scores, -jnp.inf)
    attn = jax.nn.softmax(scores, axis=-1)
    ctx = jnp.einsum('rhts,rhsd->rhtd', attn, v).transpose(0, 2, 1, 3).reshape(R + 1, MAXC, D)
    proj = ctx @ W0
    # scatter back to original (batch, seq) layout
    out = jnp.where(valid[:, :, None], proj[r_idx, j_idx], jnp.zeros_like(embeddings))
    return out

if __name__ == "__main__":
    import jax
    _d = setup_inputs()
    print(jax.jit(kernel)(*tuple(_d.values())))

</pallas_src>

<mosaic_0001>
#map = affine_map<(d0, d1) -> (0, 0)>
#map1 = affine_map<(d0, d1) -> (0, 0, 0)>
module attributes {stable_mosaic.version = 14 : i64} {
  func.func @k(%arg0: i32, %arg1: i32, %arg2: memref<16384x128xf32, #tpu.memory_space<hbm>>, %arg3: memref<32x4x128xi32, #tpu.memory_space<hbm>>, %arg4: memref<16384x128xf32, #tpu.memory_space<hbm>>, %arg5: memref<4x128xi32, #tpu.memory_space<vmem>>, %arg6: memref<4x128x128xf32, #tpu.memory_space<vmem>>, %arg7: memref<!tpu.dma_semaphore, #tpu.memory_space<semaphore_mem>>) attributes {dimension_semantics = [#tpu.dimension_semantics<core_parallel>, #tpu.dimension_semantics<subcore_parallel>], iteration_bounds = array<i64: 2, 16>, scalar_prefetch = 0 : i64, scratch_operands = 3 : i64, tpu.core_type = #tpu.core_type<sc_vector_subcore>, window_params = [{transform_indices = #map}, {transform_indices = #map1}, {transform_indices = #map}]} {
    %mul3A = arith.constant 2 : i32
    %mul3A_0 = arith.muli %arg1, %mul3A : i32
    %add3A = arith.addi %mul3A_0, %arg0 : i32
    %mul3A_1 = arith.constant 512 : i32
    %mul3A_2 = arith.muli %add3A, %mul3A_1 : i32
    "tpu.region"() ({
      %run_scoped3A_108 = tpu.sem_alloc : memref<!tpu.dma_semaphore, #tpu.memory_space<semaphore_mem>>
      %dma_start3A_109 = arith.constant 0 : i32
      %dma_start3A_110 = arith.constant 0 : i32
      %dma_start3A_111 = tpu.memref_slice %arg3[%add3A, %dma_start3A_109, %dma_start3A_110] : memref<32x4x128xi32, #tpu.memory_space<hbm>> -> memref<1x4x128xi32, #tpu.memory_space<hbm>>
      %dma_start3A_112 = tpu.memref_squeeze %dma_start3A_111 : memref<1x4x128xi32, #tpu.memory_space<hbm>> -> memref<4x128xi32, #tpu.memory_space<hbm>>
      %dma_start3A_113 = arith.constant 0 : i32
      %dma_start3A_114 = arith.constant 0 : i32
      %dma_start3A_115 = tpu.memref_slice %arg3[%add3A, %dma_start3A_113, %dma_start3A_114] : memref<32x4x128xi32, #tpu.memory_space<hbm>> -> memref<1x4x128xi32, #tpu.memory_space<hbm>>
      %dma_start3A_116 = tpu.memref_squeeze %dma_start3A_115 : memref<1x4x128xi32, #tpu.memory_space<hbm>> -> memref<4x128xi32, #tpu.memory_space<hbm>>
      tpu.enqueue_dma source(%dma_start3A_116 : memref<4x128xi32, #tpu.memory_space<hbm>>) target(%arg5 : memref<4x128xi32, #tpu.memory_space<vmem>>) target_semaphore(%run_scoped3A_108 : memref<!tpu.dma_semaphore, #tpu.memory_space<semaphore_mem>>)
      %dma_wait3A_117 = arith.constant 0 : i32
      %dma_wait3A_118 = arith.constant 0 : i32
      %dma_wait3A_119 = tpu.memref_slice %arg3[%add3A, %dma_wait3A_117, %dma_wait3A_118] : memref<32x4x128xi32, #tpu.memory_space<hbm>> -> memref<1x4x128xi32, #tpu.memory_space<hbm>>
      %dma_wait3A_120 = tpu.memref_squeeze %dma_wait3A_119 : memref<1x4x128xi32, #tpu.memory_space<hbm>> -> memref<4x128xi32, #tpu.memory_space<hbm>>
      %dma_wait3A_121 = arith.constant 0 : i32
      %dma_wait3A_122 = arith.constant 0 : i32
      %dma_wait3A_123 = tpu.memref_slice %arg3[%add3A, %dma_wait3A_121, %dma_wait3A_122] : memref<32x4x128xi32, #tpu.memory_space<hbm>> -> memref<1x4x128xi32, #tpu.memory_space<hbm>>
      %dma_wait3A_124 = tpu.memref_squeeze %dma_wait3A_123 : memref<1x4x128xi32, #tpu.memory_space<hbm>> -> memref<4x128xi32, #tpu.memory_space<hbm>>
      tpu.wait_dma2 semaphore(%run_scoped3A_108 : memref<!tpu.dma_semaphore, #tpu.memory_space<semaphore_mem>>) src(%dma_wait3A_124 : memref<4x128xi32, #tpu.memory_space<hbm>>) dst(%arg5 : memref<4x128xi32, #tpu.memory_space<vmem>>)
      tpu.yield
    }) : () -> ()
    %dma_start3A = arith.constant 0 : i32
    %dma_start3A_3 = arith.constant 0 : i32
    %dma_start3A_4 = arith.constant 0 : i32
    %dma_start3A_5 = arith.constant 0 : i32
    %dma_start3A_6 = tpu.memref_slice %arg6[%dma_start3A_3, %dma_start3A_4, %dma_start3A_5] : memref<4x128x128xf32, #tpu.memory_space<vmem>> -> memref<1x128x128xf32, #tpu.memory_space<vmem>>
    %dma_start3A_7 = tpu.memref_squeeze %dma_start3A_6 : memref<1x128x128xf32, #tpu.memory_space<vmem>> -> memref<128x128xf32, #tpu.memory_space<vmem>>
    %dma_start3A_8 = arith.constant 0 : i32
    %dma_start3A_9 = tpu.memref_slice %arg5[%dma_start3A, %dma_start3A_8] : memref<4x128xi32, #tpu.memory_space<vmem>> -> memref<1x128xi32, #tpu.memory_space<vmem>>
    %dma_start3A_10 = tpu.memref_squeeze %dma_start3A_9 : memref<1x128xi32, #tpu.memory_space<vmem>> -> memref<128xi32, #tpu.memory_space<vmem>>
    %dma_start3A_11 = arith.constant 0 : i32
    %dma_start3A_12 = arith.constant 0 : i32
    %dma_start3A_13 = tpu.memref_slice %arg2[%dma_start3A_11, %dma_start3A_12] : memref<16384x128xf32, #tpu.memory_space<hbm>> -> memref<16384x128xf32, #tpu.memory_space<hbm>>
    tpu.enqueue_indirect_dma source(%dma_start3A_13 : memref<16384x128xf32, #tpu.memory_space<hbm>>) target(%dma_start3A_7 : memref<128x128xf32, #tpu.memory_space<vmem>>) offsets(%dma_start3A_10 : memref<128xi32, #tpu.memory_space<vmem>>) semaphore(%arg7 : memref<!tpu.dma_semaphore, #tpu.memory_space<semaphore_mem>>)
    %dma_start3A_14 = arith.constant 1 : i32
    %dma_start3A_15 = arith.constant 1 : i32
    %dma_start3A_16 = arith.constant 0 : i32
    %dma_start3A_17 = arith.constant 0 : i32
    %dma_start3A_18 = tpu.memref_slice %arg6[%dma_start3A_15, %dma_start3A_16, %dma_start3A_17] : memref<4x128x128xf32, #tpu.memory_space<vmem>> -> memref<1x128x128xf32, #tpu.memory_space<vmem>>
    %dma_start3A_19 = tpu.memref_squeeze %dma_start3A_18 : memref<1x128x128xf32, #tpu.memory_space<vmem>> -> memref<128x128xf32, #tpu.memory_space<vmem>>
    %dma_start3A_20 = arith.constant 0 : i32
    %dma_start3A_21 = tpu.memref_slice %arg5[%dma_start3A_14, %dma_start3A_20] : memref<4x128xi32, #tpu.memory_space<vmem>> -> memref<1x128xi32, #tpu.memory_space<vmem>>
    %dma_start3A_22 = tpu.memref_squeeze %dma_start3A_21 : memref<1x128xi32, #tpu.memory_space<vmem>> -> memref<128xi32, #tpu.memory_space<vmem>>
    %dma_start3A_23 = arith.constant 0 : i32
    %dma_start3A_24 = arith.constant 0 : i32
    %dma_start3A_25 = tpu.memref_slice %arg2[%dma_start3A_23, %dma_start3A_24] : memref<16384x128xf32, #tpu.memory_space<hbm>> -> memref<16384x128xf32, #tpu.memory_space<hbm>>
    tpu.enqueue_indirect_dma source(%dma_start3A_25 : memref<16384x128xf32, #tpu.memory_space<hbm>>) target(%dma_start3A_19 : memref<128x128xf32, #tpu.memory_space<vmem>>) offsets(%dma_start3A_22 : memref<128xi32, #tpu.memory_space<vmem>>) semaphore(%arg7 : memref<!tpu.dma_semaphore, #tpu.memory_space<semaphore_mem>>)
    %dma_start3A_26 = arith.constant 2 : i32
    %dma_start3A_27 = arith.constant 2 : i32
    %dma_start3A_28 = arith.constant 0 : i32
    %dma_start3A_29 = arith.constant 0 : i32
    %dma_start3A_30 = tpu.memref_slice %arg6[%dma_start3A_27, %dma_start3A_28, %dma_start3A_29] : memref<4x128x128xf32, #tpu.memory_space<vmem>> -> memref<1x128x128xf32, #tpu.memory_space<vmem>>
    %dma_start3A_31 = tpu.memref_squeeze %dma_start3A_30 : memref<1x128x128xf32, #tpu.memory_space<vmem>> -> memref<128x128xf32, #tpu.memory_space<vmem>>
    %dma_start3A_32 = arith.constant 0 : i32
    %dma_start3A_33 = tpu.memref_slice %arg5[%dma_start3A_26, %dma_start3A_32] : memref<4x128xi32, #tpu.memory_space<vmem>> -> memref<1x128xi32, #tpu.memory_space<vmem>>
    %dma_start3A_34 = tpu.memref_squeeze %dma_start3A_33 : memref<1x128xi32, #tpu.memory_space<vmem>> -> memref<128xi32, #tpu.memory_space<vmem>>
    %dma_start3A_35 = arith.constant 0 : i32
    %dma_start3A_36 = arith.constant 0 : i32
    %dma_start3A_37 = tpu.memref_slice %arg2[%dma_start3A_35, %dma_start3A_36] : memref<16384x128xf32, #tpu.memory_space<hbm>> -> memref<16384x128xf32, #tpu.memory_space<hbm>>
    tpu.enqueue_indirect_dma source(%dma_start3A_37 : memref<16384x128xf32, #tpu.memory_space<hbm>>) target(%dma_start3A_31 : memref<128x128xf32, #tpu.memory_space<vmem>>) offsets(%dma_start3A_34 : memref<128xi32, #tpu.memory_space<vmem>>) semaphore(%arg7 : memref<!tpu.dma_semaphore, #tpu.memory_space<semaphore_mem>>)
    %dma_start3A_38 = arith.constant 3 : i32
    %dma_start3A_39 = arith.constant 3 : i32
    %dma_start3A_40 = arith.constant 0 : i32
    %dma_start3A_41 = arith.constant 0 : i32
    %dma_start3A_42 = tpu.memref_slice %arg6[%dma_start3A_39, %dma_start3A_40, %dma_start3A_41] : memref<4x128x128xf32, #tpu.memory_space<vmem>> -> memref<1x128x128xf32, #tpu.memory_space<vmem>>
    %dma_start3A_43 = tpu.memref_squeeze %dma_start3A_42 : memref<1x128x128xf32, #tpu.memory_space<vmem>> -> memref<128x128xf32, #tpu.memory_space<vmem>>
    %dma_start3A_44 = arith.constant 0 : i32
    %dma_start3A_45 = tpu.memref_slice %arg5[%dma_start3A_38, %dma_start3A_44] : memref<4x128xi32, #tpu.memory_space<vmem>> -> memref<1x128xi32, #tpu.memory_space<vmem>>
    %dma_start3A_46 = tpu.memref_squeeze %dma_start3A_45 : memref<1x128xi32, #tpu.memory_space<vmem>> -> memref<128xi32, #tpu.memory_space<vmem>>
    %dma_start3A_47 = arith.constant 0 : i32
    %dma_start3A_48 = arith.constant 0 : i32
    %dma_start3A_49 = tpu.memref_slice %arg2[%dma_start3A_47, %dma_start3A_48] : memref<16384x128xf32, #tpu.memory_space<hbm>> -> memref<16384x128xf32, #tpu.memory_space<hbm>>
    tpu.enqueue_indirect_dma source(%dma_start3A_49 : memref<16384x128xf32, #tpu.memory_space<hbm>>) target(%dma_start3A_43 : memref<128x128xf32, #tpu.memory_space<vmem>>) offsets(%dma_start3A_46 : memref<128xi32, #tpu.memory_space<vmem>>) semaphore(%arg7 : memref<!tpu.dma_semaphore, #tpu.memory_space<semaphore_mem>>)
    %dma_wait3A = arith.constant 0 : i32
    %dma_wait3A_50 = arith.constant 0 : i32
    %dma_wait3A_51 = arith.constant 0 : i32
    %dma_wait3A_52 = arith.constant 0 : i32
    %dma_wait3A_53 = tpu.memref_slice %arg6[%dma_wait3A_50, %dma_wait3A_51, %dma_wait3A_52] : memref<4x128x128xf32, #tpu.memory_space<vmem>> -> memref<1x128x128xf32, #tpu.memory_space<vmem>>
    %dma_wait3A_54 = tpu.memref_squeeze %dma_wait3A_53 : memref<1x128x128xf32, #tpu.memory_space<vmem>> -> memref<128x128xf32, #tpu.memory_space<vmem>>
    %dma_wait3A_55 = arith.constant 0 : i32
    %dma_wait3A_56 = tpu.memref_slice %arg5[%dma_wait3A, %dma_wait3A_55] : memref<4x128xi32, #tpu.memory_space<vmem>> -> memref<1x128xi32, #tpu.memory_space<vmem>>
    %dma_wait3A_57 = tpu.memref_squeeze %dma_wait3A_56 : memref<1x128xi32, #tpu.memory_space<vmem>> -> memref<128xi32, #tpu.memory_space<vmem>>
    %dma_wait3A_58 = arith.constant 0 : i32
    %dma_wait3A_59 = arith.constant 0 : i32
    %dma_wait3A_60 = tpu.memref_slice %arg2[%dma_wait3A_58, %dma_wait3A_59] : memref<16384x128xf32, #tpu.memory_space<hbm>> -> memref<16384x128xf32, #tpu.memory_space<hbm>>
    tpu.wait_indirect_dma semaphore(%arg7 : memref<!tpu.dma_semaphore, #tpu.memory_space<semaphore_mem>>) src(%dma_wait3A_60 : memref<16384x128xf32, #tpu.memory_space<hbm>>) dst(%dma_wait3A_54 : memref<128x128xf32, #tpu.memory_space<vmem>>)
    %add3A_61 = arith.constant 0 : i32
    %add3A_62 = arith.addi %mul3A_2, %add3A_61 : i32
    %run_scoped3A = arith.constant 0 : i32
    "tpu.region"() ({
      %run_scoped3A_108 = tpu.sem_alloc : memref<!tpu.dma_semaphore, #tpu.memory_space<semaphore_mem>>
      %dma_start3A_109 = arith.constant 0 : i32
      %dma_start3A_110 = arith.constant 0 : i32
      %dma_start3A_111 = tpu.memref_slice %arg6[%run_scoped3A, %dma_start3A_109, %dma_start3A_110] : memref<4x128x128xf32, #tpu.memory_space<vmem>> -> memref<1x128x128xf32, #tpu.memory_space<vmem>>
      %dma_start3A_112 = tpu.memref_squeeze %dma_start3A_111 : memref<1x128x128xf32, #tpu.memory_space<vmem>> -> memref<128x128xf32, #tpu.memory_space<vmem>>
      %dma_start3A_113 = arith.constant 0 : i32
      %dma_start3A_114 = tpu.memref_slice %arg4[%add3A_62, %dma_start3A_113] : memref<16384x128xf32, #tpu.memory_space<hbm>> -> memref<128x128xf32, #tpu.memory_space<hbm>>
      %dma_start3A_115 = arith.constant 0 : i32
      %dma_start3A_116 = tpu.memref_slice %arg4[%add3A_62, %dma_start3A_115] : memref<16384x128xf32, #tpu.memory_space<hbm>> -> memref<128x128xf32, #tpu.memory_space<hbm>>
      %dma_start3A_117 = arith.constant 0 : i32
      %dma_start3A_118 = arith.constant 0 : i32
      %dma_start3A_119 = tpu.memref_slice %arg6[%run_scoped3A, %dma_start3A_117, %dma_start3A_118] : memref<4x128x128xf32, #tpu.memory_space<vmem>> -> memref<1x128x128xf32, #tpu.memory_space<vmem>>
      %dma_start3A_120 = tpu.memref_squeeze %dma_start3A_119 : memref<1x128x128xf32, #tpu.memory_space<vmem>> -> memref<128x128xf32, #tpu.memory_space<vmem>>
      tpu.enqueue_dma source(%dma_start3A_120 : memref<128x128xf32, #tpu.memory_space<vmem>>) target(%dma_start3A_116 : memref<128x128xf32, #tpu.memory_space<hbm>>) target_semaphore(%run_scoped3A_108 : memref<!tpu.dma_semaphore, #tpu.memory_space<semaphore_mem>>)
      %dma_wait3A_121 = arith.constant 0 : i32
      %dma_wait3A_122 = arith.constant 0 : i32
      %dma_wait3A_123 = tpu.memref_slice %arg6[%run_scoped3A, %dma_wait3A_121, %dma_wait3A_122] : memref<4x128x128xf32, #tpu.memory_space<vmem>> -> memref<1x128x128xf32, #tpu.memory_space<vmem>>
      %dma_wait3A_124 = tpu.memref_squeeze %dma_wait3A_123 : memref<1x128x128xf32, #tpu.memory_space<vmem>> -> memref<128x128xf32, #tpu.memory_space<vmem>>
      %dma_wait3A_125 = arith.constant 0 : i32
      %dma_wait3A_126 = tpu.memref_slice %arg4[%add3A_62, %dma_wait3A_125] : memref<16384x128xf32, #tpu.memory_space<hbm>> -> memref<128x128xf32, #tpu.memory_space<hbm>>
      %dma_wait3A_127 = arith.constant 0 : i32
      %dma_wait3A_128 = tpu.memref_slice %arg4[%add3A_62, %dma_wait3A_127] : memref<16384x128xf32, #tpu.memory_space<hbm>> -> memref<128x128xf32, #tpu.memory_space<hbm>>
      %dma_wait3A_129 = arith.constant 0 : i32
      %dma_wait3A_130 = arith.constant 0 : i32
      %dma_wait3A_131 = tpu.memref_slice %arg6[%run_scoped3A, %dma_wait3A_129, %dma_wait3A_130] : memref<4x128x128xf32, #tpu.memory_space<vmem>> -> memref<1x128x128xf32, #tpu.memory_space<vmem>>
      %dma_wait3A_132 = tpu.memref_squeeze %dma_wait3A_131 : memref<1x128x128xf32, #tpu.memory_space<vmem>> -> memref<128x128xf32, #tpu.memory_space<vmem>>
      tpu.wait_dma2 semaphore(%run_scoped3A_108 : memref<!tpu.dma_semaphore, #tpu.memory_space<semaphore_mem>>) src(%dma_wait3A_132 : memref<128x128xf32, #tpu.memory_space<vmem>>) dst(%dma_wait3A_128 : memref<128x128xf32, #tpu.memory_space<hbm>>)
      tpu.yield
    }) : () -> ()
    %dma_wait3A_63 = arith.constant 1 : i32
    %dma_wait3A_64 = arith.constant 1 : i32
    %dma_wait3A_65 = arith.constant 0 : i32
    %dma_wait3A_66 = arith.constant 0 : i32
    %dma_wait3A_67 = tpu.memref_slice %arg6[%dma_wait3A_64, %dma_wait3A_65, %dma_wait3A_66] : memref<4x128x128xf32, #tpu.memory_space<vmem>> -> memref<1x128x128xf32, #tpu.memory_space<vmem>>
    %dma_wait3A_68 = tpu.memref_squeeze %dma_wait3A_67 : memref<1x128x128xf32, #tpu.memory_space<vmem>> -> memref<128x128xf32, #tpu.memory_space<vmem>>
    %dma_wait3A_69 = arith.constant 0 : i32
    %dma_wait3A_70 = tpu.memref_slice %arg5[%dma_wait3A_63, %dma_wait3A_69] : memref<4x128xi32, #tpu.memory_space<vmem>> -> memref<1x128xi32, #tpu.memory_space<vmem>>
    %dma_wait3A_71 = tpu.memref_squeeze %dma_wait3A_70 : memref<1x128xi32, #tpu.memory_space<vmem>> -> memref<128xi32, #tpu.memory_space<vmem>>
    %dma_wait3A_72 = arith.constant 0 : i32
    %dma_wait3A_73 = arith.constant 0 : i32
    %dma_wait3A_74 = tpu.memref_slice %arg2[%dma_wait3A_72, %dma_wait3A_73] : memref<16384x128xf32, #tpu.memory_space<hbm>> -> memref<16384x128xf32, #tpu.memory_space<hbm>>
    tpu.wait_indirect_dma semaphore(%arg7 : memref<!tpu.dma_semaphore, #tpu.memory_space<semaphore_mem>>) src(%dma_wait3A_74 : memref<16384x128xf32, #tpu.memory_space<hbm>>) dst(%dma_wait3A_68 : memref<128x128xf32, #tpu.memory_space<vmem>>)
    %add3A_75 = arith.constant 128 : i32
    %add3A_76 = arith.addi %mul3A_2, %add3A_75 : i32
    %run_scoped3A_77 = arith.constant 1 : i32
    "tpu.region"() ({
      %run_scoped3A_108 = tpu.sem_alloc : memref<!tpu.dma_semaphore, #tpu.memory_space<semaphore_mem>>
      %dma_start3A_109 = arith.constant 0 : i32
      %dma_start3A_110 = arith.constant 0 : i32
      %dma_start3A_111 = tpu.memref_slice %arg6[%run_scoped3A_77, %dma_start3A_109, %dma_start3A_110] : memref<4x128x128xf32, #tpu.memory_space<vmem>> -> memref<1x128x128xf32, #tpu.memory_space<vmem>>
      %dma_start3A_112 = tpu.memref_squeeze %dma_start3A_111 : memref<1x128x128xf32, #tpu.memory_space<vmem>> -> memref<128x128xf32, #tpu.memory_space<vmem>>
      %dma_start3A_113 = arith.constant 0 : i32
      %dma_start3A_114 = tpu.memref_slice %arg4[%add3A_76, %dma_start3A_113] : memref<16384x128xf32, #tpu.memory_space<hbm>> -> memref<128x128xf32, #tpu.memory_space<hbm>>
      %dma_start3A_115 = arith.constant 0 : i32
      %dma_start3A_116 = tpu.memref_slice %arg4[%add3A_76, %dma_start3A_115] : memref<16384x128xf32, #tpu.memory_space<hbm>> -> memref<128x128xf32, #tpu.memory_space<hbm>>
      %dma_start3A_117 = arith.constant 0 : i32
      %dma_start3A_118 = arith.constant 0 : i32
      %dma_start3A_119 = tpu.memref_slice %arg6[%run_scoped3A_77, %dma_start3A_117, %dma_start3A_118] : memref<4x128x128xf32, #tpu.memory_space<vmem>> -> memref<1x128x128xf32, #tpu.memory_space<vmem>>
      %dma_start3A_120 = tpu.memref_squeeze %dma_start3A_119 : memref<1x128x128xf32, #tpu.memory_space<vmem>> -> memref<128x128xf32, #tpu.memory_space<vmem>>
      tpu.enqueue_dma source(%dma_start3A_120 : memref<128x128xf32, #tpu.memory_space<vmem>>) target(%dma_start3A_116 : memref<128x128xf32, #tpu.memory_space<hbm>>) target_semaphore(%run_scoped3A_108 : memref<!tpu.dma_semaphore, #tpu.memory_space<semaphore_mem>>)
      %dma_wait3A_121 = arith.constant 0 : i32
      %dma_wait3A_122 = arith.constant 0 : i32
      %dma_wait3A_123 = tpu.memref_slice %arg6[%run_scoped3A_77, %dma_wait3A_121, %dma_wait3A_122] : memref<4x128x128xf32, #tpu.memory_space<vmem>> -> memref<1x128x128xf32, #tpu.memory_space<vmem>>
      %dma_wait3A_124 = tpu.memref_squeeze %dma_wait3A_123 : memref<1x128x128xf32, #tpu.memory_space<vmem>> -> memref<128x128xf32, #tpu.memory_space<vmem>>
      %dma_wait3A_125 = arith.constant 0 : i32
      %dma_wait3A_126 = tpu.memref_slice %arg4[%add3A_76, %dma_wait3A_125] : memref<16384x128xf32, #tpu.memory_space<hbm>> -> memref<128x128xf32, #tpu.memory_space<hbm>>
      %dma_wait3A_127 = arith.constant 0 : i32
      %dma_wait3A_128 = tpu.memref_slice %arg4[%add3A_76, %dma_wait3A_127] : memref<16384x128xf32, #tpu.memory_space<hbm>> -> memref<128x128xf32, #tpu.memory_space<hbm>>
      %dma_wait3A_129 = arith.constant 0 : i32
      %dma_wait3A_130 = arith.constant 0 : i32
      %dma_wait3A_131 = tpu.memref_slice %arg6[%run_scoped3A_77, %dma_wait3A_129, %dma_wait3A_130] : memref<4x128x128xf32, #tpu.memory_space<vmem>> -> memref<1x128x128xf32, #tpu.memory_space<vmem>>
      %dma_wait3A_132 = tpu.memref_squeeze %dma_wait3A_131 : memref<1x128x128xf32, #tpu.memory_space<vmem>> -> memref<128x128xf32, #tpu.memory_space<vmem>>
      tpu.wait_dma2 semaphore(%run_scoped3A_108 : memref<!tpu.dma_semaphore, #tpu.memory_space<semaphore_mem>>) src(%dma_wait3A_132 : memref<128x128xf32, #tpu.memory_space<vmem>>) dst(%dma_wait3A_128 : memref<128x128xf32, #tpu.memory_space<hbm>>)
      tpu.yield
    }) : () -> ()
    %dma_wait3A_78 = arith.constant 2 : i32
    %dma_wait3A_79 = arith.constant 2 : i32
    %dma_wait3A_80 = arith.constant 0 : i32
    %dma_wait3A_81 = arith.constant 0 : i32
    %dma_wait3A_82 = tpu.memref_slice %arg6[%dma_wait3A_79, %dma_wait3A_80, %dma_wait3A_81] : memref<4x128x128xf32, #tpu.memory_space<vmem>> -> memref<1x128x128xf32, #tpu.memory_space<vmem>>
    %dma_wait3A_83 = tpu.memref_squeeze %dma_wait3A_82 : memref<1x128x128xf32, #tpu.memory_space<vmem>> -> memref<128x128xf32, #tpu.memory_space<vmem>>
    %dma_wait3A_84 = arith.constant 0 : i32
    %dma_wait3A_85 = tpu.memref_slice %arg5[%dma_wait3A_78, %dma_wait3A_84] : memref<4x128xi32, #tpu.memory_space<vmem>> -> memref<1x128xi32, #tpu.memory_space<vmem>>
    %dma_wait3A_86 = tpu.memref_squeeze %dma_wait3A_85 : memref<1x128xi32, #tpu.memory_space<vmem>> -> memref<128xi32, #tpu.memory_space<vmem>>
    %dma_wait3A_87 = arith.constant 0 : i32
    %dma_wait3A_88 = arith.constant 0 : i32
    %dma_wait3A_89 = tpu.memref_slice %arg2[%dma_wait3A_87, %dma_wait3A_88] : memref<16384x128xf32, #tpu.memory_space<hbm>> -> memref<16384x128xf32, #tpu.memory_space<hbm>>
    tpu.wait_indirect_dma semaphore(%arg7 : memref<!tpu.dma_semaphore, #tpu.memory_space<semaphore_mem>>) src(%dma_wait3A_89 : memref<16384x128xf32, #tpu.memory_space<hbm>>) dst(%dma_wait3A_83 : memref<128x128xf32, #tpu.memory_space<vmem>>)
    %add3A_90 = arith.constant 256 : i32
    %add3A_91 = arith.addi %mul3A_2, %add3A_90 : i32
    %run_scoped3A_92 = arith.constant 2 : i32
    "tpu.region"() ({
      %run_scoped3A_108 = tpu.sem_alloc : memref<!tpu.dma_semaphore, #tpu.memory_space<semaphore_mem>>
      %dma_start3A_109 = arith.constant 0 : i32
      %dma_start3A_110 = arith.constant 0 : i32
      %dma_start3A_111 = tpu.memref_slice %arg6[%run_scoped3A_92, %dma_start3A_109, %dma_start3A_110] : memref<4x128x128xf32, #tpu.memory_space<vmem>> -> memref<1x128x128xf32, #tpu.memory_space<vmem>>
      %dma_start3A_112 = tpu.memref_squeeze %dma_start3A_111 : memref<1x128x128xf32, #tpu.memory_space<vmem>> -> memref<128x128xf32, #tpu.memory_space<vmem>>
      %dma_start3A_113 = arith.constant 0 : i32
      %dma_start3A_114 = tpu.memref_slice %arg4[%add3A_91, %dma_start3A_113] : memref<16384x128xf32, #tpu.memory_space<hbm>> -> memref<128x128xf32, #tpu.memory_space<hbm>>
      %dma_start3A_115 = arith.constant 0 : i32
      %dma_start3A_116 = tpu.memref_slice %arg4[%add3A_91, %dma_start3A_115] : memref<16384x128xf32, #tpu.memory_space<hbm>> -> memref<128x128xf32, #tpu.memory_space<hbm>>
      %dma_start3A_117 = arith.constant 0 : i32
      %dma_start3A_118 = arith.constant 0 : i32
      %dma_start3A_119 = tpu.memref_slice %arg6[%run_scoped3A_92, %dma_start3A_117, %dma_start3A_118] : memref<4x128x128xf32, #tpu.memory_space<vmem>> -> memref<1x128x128xf32, #tpu.memory_space<vmem>>
      %dma_start3A_120 = tpu.memref_squeeze %dma_start3A_119 : memref<1x128x128xf32, #tpu.memory_space<vmem>> -> memref<128x128xf32, #tpu.memory_space<vmem>>
      tpu.enqueue_dma source(%dma_start3A_120 : memref<128x128xf32, #tpu.memory_space<vmem>>) target(%dma_start3A_116 : memref<128x128xf32, #tpu.memory_space<hbm>>) target_semaphore(%run_scoped3A_108 : memref<!tpu.dma_semaphore, #tpu.memory_space<semaphore_mem>>)
      %dma_wait3A_121 = arith.constant 0 : i32
      %dma_wait3A_122 = arith.constant 0 : i32
      %dma_wait3A_123 = tpu.memref_slice %arg6[%run_scoped3A_92, %dma_wait3A_121, %dma_wait3A_122] : memref<4x128x128xf32, #tpu.memory_space<vmem>> -> memref<1x128x128xf32, #tpu.memory_space<vmem>>
      %dma_wait3A_124 = tpu.memref_squeeze %dma_wait3A_123 : memref<1x128x128xf32, #tpu.memory_space<vmem>> -> memref<128x128xf32, #tpu.memory_space<vmem>>
      %dma_wait3A_125 = arith.constant 0 : i32
      %dma_wait3A_126 = tpu.memref_slice %arg4[%add3A_91, %dma_wait3A_125] : memref<16384x128xf32, #tpu.memory_space<hbm>> -> memref<128x128xf32, #tpu.memory_space<hbm>>
      %dma_wait3A_127 = arith.constant 0 : i32
      %dma_wait3A_128 = tpu.memref_slice %arg4[%add3A_91, %dma_wait3A_127] : memref<16384x128xf32, #tpu.memory_space<hbm>> -> memref<128x128xf32, #tpu.memory_space<hbm>>
      %dma_wait3A_129 = arith.constant 0 : i32
      %dma_wait3A_130 = arith.constant 0 : i32
      %dma_wait3A_131 = tpu.memref_slice %arg6[%run_scoped3A_92, %dma_wait3A_129, %dma_wait3A_130] : memref<4x128x128xf32, #tpu.memory_space<vmem>> -> memref<1x128x128xf32, #tpu.memory_space<vmem>>
      %dma_wait3A_132 = tpu.memref_squeeze %dma_wait3A_131 : memref<1x128x128xf32, #tpu.memory_space<vmem>> -> memref<128x128xf32, #tpu.memory_space<vmem>>
      tpu.wait_dma2 semaphore(%run_scoped3A_108 : memref<!tpu.dma_semaphore, #tpu.memory_space<semaphore_mem>>) src(%dma_wait3A_132 : memref<128x128xf32, #tpu.memory_space<vmem>>) dst(%dma_wait3A_128 : memref<128x128xf32, #tpu.memory_space<hbm>>)
      tpu.yield
    }) : () -> ()
    %dma_wait3A_93 = arith.constant 3 : i32
    %dma_wait3A_94 = arith.constant 3 : i32
    %dma_wait3A_95 = arith.constant 0 : i32
    %dma_wait3A_96 = arith.constant 0 : i32
    %dma_wait3A_97 = tpu.memref_slice %arg6[%dma_wait3A_94, %dma_wait3A_95, %dma_wait3A_96] : memref<4x128x128xf32, #tpu.memory_space<vmem>> -> memref<1x128x128xf32, #tpu.memory_space<vmem>>
    %dma_wait3A_98 = tpu.memref_squeeze %dma_wait3A_97 : memref<1x128x128xf32, #tpu.memory_space<vmem>> -> memref<128x128xf32, #tpu.memory_space<vmem>>
    %dma_wait3A_99 = arith.constant 0 : i32
    %dma_wait3A_100 = tpu.memref_slice %arg5[%dma_wait3A_93, %dma_wait3A_99] : memref<4x128xi32, #tpu.memory_space<vmem>> -> memref<1x128xi32, #tpu.memory_space<vmem>>
    %dma_wait3A_101 = tpu.memref_squeeze %dma_wait3A_100 : memref<1x128xi32, #tpu.memory_space<vmem>> -> memref<128xi32, #tpu.memory_space<vmem>>
    %dma_wait3A_102 = arith.constant 0 : i32
    %dma_wait3A_103 = arith.constant 0 : i32
    %dma_wait3A_104 = tpu.memref_slice %arg2[%dma_wait3A_102, %dma_wait3A_103] : memref<16384x128xf32, #tpu.memory_space<hbm>> -> memref<16384x128xf32, #tpu.memory_space<hbm>>
    tpu.wait_indirect_dma semaphore(%arg7 : memref<!tpu.dma_semaphore, #tpu.memory_space<semaphore_mem>>) src(%dma_wait3A_104 : memref<16384x128xf32, #tpu.memory_space<hbm>>) dst(%dma_wait3A_98 : memref<128x128xf32, #tpu.memory_space<vmem>>)
    %add3A_105 = arith.constant 384 : i32
    %add3A_106 = arith.addi %mul3A_2, %add3A_105 : i32
    %run_scoped3A_107 = arith.constant 3 : i32
    "tpu.region"() ({
      %run_scoped3A_108 = tpu.sem_alloc : memref<!tpu.dma_semaphore, #tpu.memory_space<semaphore_mem>>
      %dma_start3A_109 = arith.constant 0 : i32
      %dma_start3A_110 = arith.constant 0 : i32
      %dma_start3A_111 = tpu.memref_slice %arg6[%run_scoped3A_107, %dma_start3A_109, %dma_start3A_110] : memref<4x128x128xf32, #tpu.memory_space<vmem>> -> memref<1x128x128xf32, #tpu.memory_space<vmem>>
      %dma_start3A_112 = tpu.memref_squeeze %dma_start3A_111 : memref<1x128x128xf32, #tpu.memory_space<vmem>> -> memref<128x128xf32, #tpu.memory_space<vmem>>
      %dma_start3A_113 = arith.constant 0 : i32
      %dma_start3A_114 = tpu.memref_slice %arg4[%add3A_106, %dma_start3A_113] : memref<16384x128xf32, #tpu.memory_space<hbm>> -> memref<128x128xf32, #tpu.memory_space<hbm>>
      %dma_start3A_115 = arith.constant 0 : i32
      %dma_start3A_116 = tpu.memref_slice %arg4[%add3A_106, %dma_start3A_115] : memref<16384x128xf32, #tpu.memory_space<hbm>> -> memref<128x128xf32, #tpu.memory_space<hbm>>
      %dma_start3A_117 = arith.constant 0 : i32
      %dma_start3A_118 = arith.constant 0 : i32
      %dma_start3A_119 = tpu.memref_slice %arg6[%run_scoped3A_107, %dma_start3A_117, %dma_start3A_118] : memref<4x128x128xf32, #tpu.memory_space<vmem>> -> memref<1x128x128xf32, #tpu.memory_space<vmem>>
      %dma_start3A_120 = tpu.memref_squeeze %dma_start3A_119 : memref<1x128x128xf32, #tpu.memory_space<vmem>> -> memref<128x128xf32, #tpu.memory_space<vmem>>
      tpu.enqueue_dma source(%dma_start3A_120 : memref<128x128xf32, #tpu.memory_space<vmem>>) target(%dma_start3A_116 : memref<128x128xf32, #tpu.memory_space<hbm>>) target_semaphore(%run_scoped3A_108 : memref<!tpu.dma_semaphore, #tpu.memory_space<semaphore_mem>>)
      %dma_wait3A_121 = arith.constant 0 : i32
      %dma_wait3A_122 = arith.constant 0 : i32
      %dma_wait3A_123 = tpu.memref_slice %arg6[%run_scoped3A_107, %dma_wait3A_121, %dma_wait3A_122] : memref<4x128x128xf32, #tpu.memory_space<vmem>> -> memref<1x128x128xf32, #tpu.memory_space<vmem>>
      %dma_wait3A_124 = tpu.memref_squeeze %dma_wait3A_123 : memref<1x128x128xf32, #tpu.memory_space<vmem>> -> memref<128x128xf32, #tpu.memory_space<vmem>>
      %dma_wait3A_125 = arith.constant 0 : i32
      %dma_wait3A_126 = tpu.memref_slice %arg4[%add3A_106, %dma_wait3A_125] : memref<16384x128xf32, #tpu.memory_space<hbm>> -> memref<128x128xf32, #tpu.memory_space<hbm>>
      %dma_wait3A_127 = arith.constant 0 : i32
      %dma_wait3A_128 = tpu.memref_slice %arg4[%add3A_106, %dma_wait3A_127] : memref<16384x128xf32, #tpu.memory_space<hbm>> -> memref<128x128xf32, #tpu.memory_space<hbm>>
      %dma_wait3A_129 = arith.constant 0 : i32
      %dma_wait3A_130 = arith.constant 0 : i32
      %dma_wait3A_131 = tpu.memref_slice %arg6[%run_scoped3A_107, %dma_wait3A_129, %dma_wait3A_130] : memref<4x128x128xf32, #tpu.memory_space<vmem>> -> memref<1x128x128xf32, #tpu.memory_space<vmem>>
      %dma_wait3A_132 = tpu.memref_squeeze %dma_wait3A_131 : memref<1x128x128xf32, #tpu.memory_space<vmem>> -> memref<128x128xf32, #tpu.memory_space<vmem>>
      tpu.wait_dma2 semaphore(%run_scoped3A_108 : memref<!tpu.dma_semaphore, #tpu.memory_space<semaphore_mem>>) src(%dma_wait3A_132 : memref<128x128xf32, #tpu.memory_space<vmem>>) dst(%dma_wait3A_128 : memref<128x128xf32, #tpu.memory_space<hbm>>)
      tpu.yield
    }) : () -> ()
    return
  }
}

#map = affine_map<(d0, d1) -> (0, 0)>
#map1 = affine_map<(d0, d1) -> (0, 0, 0)>
module attributes {stable_mosaic.version = 14 : i64} {
  func.func @k(%arg0: i32, %arg1: i32, %arg2: memref<16384x128xf32, #tpu.memory_space<hbm>>, %arg3: memref<32x4x128xi32, #tpu.memory_space<hbm>>, %arg4: memref<16384x128xf32, #tpu.memory_space<hbm>>, %arg5: memref<4x128xi32, #tpu.memory_space<vmem>>, %arg6: memref<4x128x128xf32, #tpu.memory_space<vmem>>, %arg7: memref<!tpu.dma_semaphore, #tpu.memory_space<semaphore_mem>>) attributes {dimension_semantics = [#tpu.dimension_semantics<core_parallel>, #tpu.dimension_semantics<subcore_parallel>], iteration_bounds = array<i64: 2, 16>, scalar_prefetch = 0 : i64, scratch_operands = 3 : i64, tpu.core_type = #tpu.core_type<sc_vector_subcore>, window_params = [{transform_indices = #map}, {transform_indices = #map1}, {transform_indices = #map}]} {
    %mul3A = arith.constant 2 : i32
    %mul3A_0 = arith.muli %arg1, %mul3A : i32
    %add3A = arith.addi %mul3A_0, %arg0 : i32
    %mul3A_1 = arith.constant 512 : i32
    %mul3A_2 = arith.muli %add3A, %mul3A_1 : i32
    "tpu.region"() ({
      %run_scoped3A_108 = tpu.sem_alloc : memref<!tpu.dma_semaphore, #tpu.memory_space<semaphore_mem>>
      %dma_start3A_109 = arith.constant 0 : i32
      %dma_start3A_110 = arith.constant 0 : i32
      %dma_start3A_111 = tpu.memref_slice %arg3[%add3A, %dma_start3A_109, %dma_start3A_110] : memref<32x4x128xi32, #tpu.memory_space<hbm>> -> memref<1x4x128xi32, #tpu.memory_space<hbm>>
      %dma_start3A_112 = tpu.memref_squeeze %dma_start3A_111 : memref<1x4x128xi32, #tpu.memory_space<hbm>> -> memref<4x128xi32, #tpu.memory_space<hbm>>
      %dma_start3A_113 = arith.constant 0 : i32
      %dma_start3A_114 = arith.constant 0 : i32
      %dma_start3A_115 = tpu.memref_slice %arg3[%add3A, %dma_start3A_113, %dma_start3A_114] : memref<32x4x128xi32, #tpu.memory_space<hbm>> -> memref<1x4x128xi32, #tpu.memory_space<hbm>>
      %dma_start3A_116 = tpu.memref_squeeze %dma_start3A_115 : memref<1x4x128xi32, #tpu.memory_space<hbm>> -> memref<4x128xi32, #tpu.memory_space<hbm>>
      tpu.enqueue_dma source(%dma_start3A_116 : memref<4x128xi32, #tpu.memory_space<hbm>>) target(%arg5 : memref<4x128xi32, #tpu.memory_space<vmem>>) target_semaphore(%run_scoped3A_108 : memref<!tpu.dma_semaphore, #tpu.memory_space<semaphore_mem>>)
      %dma_wait3A_117 = arith.constant 0 : i32
      %dma_wait3A_118 = arith.constant 0 : i32
      %dma_wait3A_119 = tpu.memref_slice %arg3[%add3A, %dma_wait3A_117, %dma_wait3A_118] : memref<32x4x128xi32, #tpu.memory_space<hbm>> -> memref<1x4x128xi32, #tpu.memory_space<hbm>>
      %dma_wait3A_120 = tpu.memref_squeeze %dma_wait3A_119 : memref<1x4x128xi32, #tpu.memory_space<hbm>> -> memref<4x128xi32, #tpu.memory_space<hbm>>
      %dma_wait3A_121 = arith.constant 0 : i32
      %dma_wait3A_122 = arith.constant 0 : i32
      %dma_wait3A_123 = tpu.memref_slice %arg3[%add3A, %dma_wait3A_121, %dma_wait3A_122] : memref<32x4x128xi32, #tpu.memory_space<hbm>> -> memref<1x4x128xi32, #tpu.memory_space<hbm>>
      %dma_wait3A_124 = tpu.memref_squeeze %dma_wait3A_123 : memref<1x4x128xi32, #tpu.memory_space<hbm>> -> memref<4x128xi32, #tpu.memory_space<hbm>>
      tpu.wait_dma2 semaphore(%run_scoped3A_108 : memref<!tpu.dma_semaphore, #tpu.memory_space<semaphore_mem>>) src(%dma_wait3A_124 : memref<4x128xi32, #tpu.memory_space<hbm>>) dst(%arg5 : memref<4x128xi32, #tpu.memory_space<vmem>>)
      tpu.yield
    }) : () -> ()
    %dma_start3A = arith.constant 0 : i32
    %dma_start3A_3 = arith.constant 0 : i32
    %dma_start3A_4 = arith.constant 0 : i32
    %dma_start3A_5 = arith.constant 0 : i32
    %dma_start3A_6 = tpu.memref_slice %arg6[%dma_start3A_3, %dma_start3A_4, %dma_start3A_5] : memref<4x128x128xf32, #tpu.memory_space<vmem>> -> memref<1x128x128xf32, #tpu.memory_space<vmem>>
    %dma_start3A_7 = tpu.memref_squeeze %dma_start3A_6 : memref<1x128x128xf32, #tpu.memory_space<vmem>> -> memref<128x128xf32, #tpu.memory_space<vmem>>
    %dma_start3A_8 = arith.constant 0 : i32
    %dma_start3A_9 = tpu.memref_slice %arg5[%dma_start3A, %dma_start3A_8] : memref<4x128xi32, #tpu.memory_space<vmem>> -> memref<1x128xi32, #tpu.memory_space<vmem>>
    %dma_start3A_10 = tpu.memref_squeeze %dma_start3A_9 : memref<1x128xi32, #tpu.memory_space<vmem>> -> memref<128xi32, #tpu.memory_space<vmem>>
    %dma_start3A_11 = arith.constant 0 : i32
    %dma_start3A_12 = arith.constant 0 : i32
    %dma_start3A_13 = tpu.memref_slice %arg2[%dma_start3A_11, %dma_start3A_12] : memref<16384x128xf32, #tpu.memory_space<hbm>> -> memref<16384x128xf32, #tpu.memory_space<hbm>>
    tpu.enqueue_indirect_dma source(%dma_start3A_13 : memref<16384x128xf32, #tpu.memory_space<hbm>>) target(%dma_start3A_7 : memref<128x128xf32, #tpu.memory_space<vmem>>) offsets(%dma_start3A_10 : memref<128xi32, #tpu.memory_space<vmem>>) semaphore(%arg7 : memref<!tpu.dma_semaphore, #tpu.memory_space<semaphore_mem>>)
    %dma_start3A_14 = arith.constant 1 : i32
    %dma_start3A_15 = arith.constant 1 : i32
    %dma_start3A_16 = arith.constant 0 : i32
    %dma_start3A_17 = arith.constant 0 : i32
    %dma_start3A_18 = tpu.memref_slice %arg6[%dma_start3A_15, %dma_start3A_16, %dma_start3A_17] : memref<4x128x128xf32, #tpu.memory_space<vmem>> -> memref<1x128x128xf32, #tpu.memory_space<vmem>>
    %dma_start3A_19 = tpu.memref_squeeze %dma_start3A_18 : memref<1x128x128xf32, #tpu.memory_space<vmem>> -> memref<128x128xf32, #tpu.memory_space<vmem>>
    %dma_start3A_20 = arith.constant 0 : i32
    %dma_start3A_21 = tpu.memref_slice %arg5[%dma_start3A_14, %dma_start3A_20] : memref<4x128xi32, #tpu.memory_space<vmem>> -> memref<1x128xi32, #tpu.memory_space<vmem>>
    %dma_start3A_22 = tpu.memref_squeeze %dma_start3A_21 : memref<1x128xi32, #tpu.memory_space<vmem>> -> memref<128xi32, #tpu.memory_space<vmem>>
    %dma_start3A_23 = arith.constant 0 : i32
    %dma_start3A_24 = arith.constant 0 : i32
    %dma_start3A_25 = tpu.memref_slice %arg2[%dma_start3A_23, %dma_start3A_24] : memref<16384x128xf32, #tpu.memory_space<hbm>> -> memref<16384x128xf32, #tpu.memory_space<hbm>>
    tpu.enqueue_indirect_dma source(%dma_start3A_25 : memref<16384x128xf32, #tpu.memory_space<hbm>>) target(%dma_start3A_19 : memref<128x128xf32, #tpu.memory_space<vmem>>) offsets(%dma_start3A_22 : memref<128xi32, #tpu.memory_space<vmem>>) semaphore(%arg7 : memref<!tpu.dma_semaphore, #tpu.memory_space<semaphore_mem>>)
    %dma_start3A_26 = arith.constant 2 : i32
    %dma_start3A_27 = arith.constant 2 : i32
    %dma_start3A_28 = arith.constant 0 : i32
    %dma_start3A_29 = arith.constant 0 : i32
    %dma_start3A_30 = tpu.memref_slice %arg6[%dma_start3A_27, %dma_start3A_28, %dma_start3A_29] : memref<4x128x128xf32, #tpu.memory_space<vmem>> -> memref<1x128x128xf32, #tpu.memory_space<vmem>>
    %dma_start3A_31 = tpu.memref_squeeze %dma_start3A_30 : memref<1x128x128xf32, #tpu.memory_space<vmem>> -> memref<128x128xf32, #tpu.memory_space<vmem>>
    %dma_start3A_32 = arith.constant 0 : i32
    %dma_start3A_33 = tpu.memref_slice %arg5[%dma_start3A_26, %dma_start3A_32] : memref<4x128xi32, #tpu.memory_space<vmem>> -> memref<1x128xi32, #tpu.memory_space<vmem>>
    %dma_start3A_34 = tpu.memref_squeeze %dma_start3A_33 : memref<1x128xi32, #tpu.memory_space<vmem>> -> memref<128xi32, #tpu.memory_space<vmem>>
    %dma_start3A_35 = arith.constant 0 : i32
    %dma_start3A_36 = arith.constant 0 : i32
    %dma_start3A_37 = tpu.memref_slice %arg2[%dma_start3A_35, %dma_start3A_36] : memref<16384x128xf32, #tpu.memory_space<hbm>> -> memref<16384x128xf32, #tpu.memory_space<hbm>>
    tpu.enqueue_indirect_dma source(%dma_start3A_37 : memref<16384x128xf32, #tpu.memory_space<hbm>>) target(%dma_start3A_31 : memref<128x128xf32, #tpu.memory_space<vmem>>) offsets(%dma_start3A_34 : memref<128xi32, #tpu.memory_space<vmem>>) semaphore(%arg7 : memref<!tpu.dma_semaphore, #tpu.memory_space<semaphore_mem>>)
    %dma_start3A_38 = arith.constant 3 : i32
    %dma_start3A_39 = arith.constant 3 : i32
    %dma_start3A_40 = arith.constant 0 : i32
    %dma_start3A_41 = arith.constant 0 : i32
    %dma_start3A_42 = tpu.memref_slice %arg6[%dma_start3A_39, %dma_start3A_40, %dma_start3A_41] : memref<4x128x128xf32, #tpu.memory_space<vmem>> -> memref<1x128x128xf32, #tpu.memory_space<vmem>>
    %dma_start3A_43 = tpu.memref_squeeze %dma_start3A_42 : memref<1x128x128xf32, #tpu.memory_space<vmem>> -> memref<128x128xf32, #tpu.memory_space<vmem>>
    %dma_start3A_44 = arith.constant 0 : i32
    %dma_start3A_45 = tpu.memref_slice %arg5[%dma_start3A_38, %dma_start3A_44] : memref<4x128xi32, #tpu.memory_space<vmem>> -> memref<1x128xi32, #tpu.memory_space<vmem>>
    %dma_start3A_46 = tpu.memref_squeeze %dma_start3A_45 : memref<1x128xi32, #tpu.memory_space<vmem>> -> memref<128xi32, #tpu.memory_space<vmem>>
    %dma_start3A_47 = arith.constant 0 : i32
    %dma_start3A_48 = arith.constant 0 : i32
    %dma_start3A_49 = tpu.memref_slice %arg2[%dma_start3A_47, %dma_start3A_48] : memref<16384x128xf32, #tpu.memory_space<hbm>> -> memref<16384x128xf32, #tpu.memory_space<hbm>>
    tpu.enqueue_indirect_dma source(%dma_start3A_49 : memref<16384x128xf32, #tpu.memory_space<hbm>>) target(%dma_start3A_43 : memref<128x128xf32, #tpu.memory_space<vmem>>) offsets(%dma_start3A_46 : memref<128xi32, #tpu.memory_space<vmem>>) semaphore(%arg7 : memref<!tpu.dma_semaphore, #tpu.memory_space<semaphore_mem>>)
    %dma_wait3A = arith.constant 0 : i32
    %dma_wait3A_50 = arith.constant 0 : i32
    %dma_wait3A_51 = arith.constant 0 : i32
    %dma_wait3A_52 = arith.constant 0 : i32
    %dma_wait3A_53 = tpu.memref_slice %arg6[%dma_wait3A_50, %dma_wait3A_51, %dma_wait3A_52] : memref<4x128x128xf32, #tpu.memory_space<vmem>> -> memref<1x128x128xf32, #tpu.memory_space<vmem>>
    %dma_wait3A_54 = tpu.memref_squeeze %dma_wait3A_53 : memref<1x128x128xf32, #tpu.memory_space<vmem>> -> memref<128x128xf32, #tpu.memory_space<vmem>>
    %dma_wait3A_55 = arith.constant 0 : i32
    %dma_wait3A_56 = tpu.memref_slice %arg5[%dma_wait3A, %dma_wait3A_55] : memref<4x128xi32, #tpu.memory_space<vmem>> -> memref<1x128xi32, #tpu.memory_space<vmem>>
    %dma_wait3A_57 = tpu.memref_squeeze %dma_wait3A_56 : memref<1x128xi32, #tpu.memory_space<vmem>> -> memref<128xi32, #tpu.memory_space<vmem>>
    %dma_wait3A_58 = arith.constant 0 : i32
    %dma_wait3A_59 = arith.constant 0 : i32
    %dma_wait3A_60 = tpu.memref_slice %arg2[%dma_wait3A_58, %dma_wait3A_59] : memref<16384x128xf32, #tpu.memory_space<hbm>> -> memref<16384x128xf32, #tpu.memory_space<hbm>>
    tpu.wait_indirect_dma semaphore(%arg7 : memref<!tpu.dma_semaphore, #tpu.memory_space<semaphore_mem>>) src(%dma_wait3A_60 : memref<16384x128xf32, #tpu.memory_space<hbm>>) dst(%dma_wait3A_54 : memref<128x128xf32, #tpu.memory_space<vmem>>)
    %add3A_61 = arith.constant 0 : i32
    %add3A_62 = arith.addi %mul3A_2, %add3A_61 : i32
    %run_scoped3A = arith.constant 0 : i32
    "tpu.region"() ({
      %run_scoped3A_108 = tpu.sem_alloc : memref<!tpu.dma_semaphore, #tpu.memory_space<semaphore_mem>>
      %dma_start3A_109 = arith.constant 0 : i32
      %dma_start3A_110 = arith.constant 0 : i32
      %dma_start3A_111 = tpu.memref_slice %arg6[%run_scoped3A, %dma_start3A_109, %dma_start3A_110] : memref<4x128x128xf32, #tpu.memory_space<vmem>> -> memref<1x128x128xf32, #tpu.memory_space<vmem>>
      %dma_start3A_112 = tpu.memref_squeeze %dma_start3A_111 : memref<1x128x128xf32, #tpu.memory_space<vmem>> -> memref<128x128xf32, #tpu.memory_space<vmem>>
      %dma_start3A_113 = arith.constant 0 : i32
      %dma_start3A_114 = tpu.memref_slice %arg4[%add3A_62, %dma_start3A_113] : memref<16384x128xf32, #tpu.memory_space<hbm>> -> memref<128x128xf32, #tpu.memory_space<hbm>>
      %dma_start3A_115 = arith.constant 0 : i32
      %dma_start3A_116 = tpu.memref_slice %arg4[%add3A_62, %dma_start3A_115] : memref<16384x128xf32, #tpu.memory_space<hbm>> -> memref<128x128xf32, #tpu.memory_space<hbm>>
      %dma_start3A_117 = arith.constant 0 : i32
      %dma_start3A_118 = arith.constant 0 : i32
      %dma_start3A_119 = tpu.memref_slice %arg6[%run_scoped3A, %dma_start3A_117, %dma_start3A_118] : memref<4x128x128xf32, #tpu.memory_space<vmem>> -> memref<1x128x128xf32, #tpu.memory_space<vmem>>
      %dma_start3A_120 = tpu.memref_squeeze %dma_start3A_119 : memref<1x128x128xf32, #tpu.memory_space<vmem>> -> memref<128x128xf32, #tpu.memory_space<vmem>>
      tpu.enqueue_dma source(%dma_start3A_120 : memref<128x128xf32, #tpu.memory_space<vmem>>) target(%dma_start3A_116 : memref<128x128xf32, #tpu.memory_space<hbm>>) target_semaphore(%run_scoped3A_108 : memref<!tpu.dma_semaphore, #tpu.memory_space<semaphore_mem>>)
      %dma_wait3A_121 = arith.constant 0 : i32
      %dma_wait3A_122 = arith.constant 0 : i32
      %dma_wait3A_123 = tpu.memref_slice %arg6[%run_scoped3A, %dma_wait3A_121, %dma_wait3A_122] : memref<4x128x128xf32, #tpu.memory_space<vmem>> -> memref<1x128x128xf32, #tpu.memory_space<vmem>>
      %dma_wait3A_124 = tpu.memref_squeeze %dma_wait3A_123 : memref<1x128x128xf32, #tpu.memory_space<vmem>> -> memref<128x128xf32, #tpu.memory_space<vmem>>
      %dma_wait3A_125 = arith.constant 0 : i32
      %dma_wait3A_126 = tpu.memref_slice %arg4[%add3A_62, %dma_wait3A_125] : memref<16384x128xf32, #tpu.memory_space<hbm>> -> memref<128x128xf32, #tpu.memory_space<hbm>>
      %dma_wait3A_127 = arith.constant 0 : i32
      %dma_wait3A_128 = tpu.memref_slice %arg4[%add3A_62, %dma_wait3A_127] : memref<16384x128xf32, #tpu.memory_space<hbm>> -> memref<128x128xf32, #tpu.memory_space<hbm>>
      %dma_wait3A_129 = arith.constant 0 : i32
      %dma_wait3A_130 = arith.constant 0 : i32
      %dma_wait3A_131 = tpu.memref_slice %arg6[%run_scoped3A, %dma_wait3A_129, %dma_wait3A_130] : memref<4x128x128xf32, #tpu.memory_space<vmem>> -> memref<1x128x128xf32, #tpu.memory_space<vmem>>
      %dma_wait3A_132 = tpu.memref_squeeze %dma_wait3A_131 : memref<1x128x128xf32, #tpu.memory_space<vmem>> -> memref<128x128xf32, #tpu.memory_space<vmem>>
      tpu.wait_dma2 semaphore(%run_scoped3A_108 : memref<!tpu.dma_semaphore, #tpu.memory_space<semaphore_mem>>) src(%dma_wait3A_132 : memref<128x128xf32, #tpu.memory_space<vmem>>) dst(%dma_wait3A_128 : memref<128x128xf32, #tpu.memory_space<hbm>>)
      tpu.yield
    }) : () -> ()
    %dma_wait3A_63 = arith.constant 1 : i32
    %dma_wait3A_64 = arith.constant 1 : i32
    %dma_wait3A_65 = arith.constant 0 : i32
    %dma_wait3A_66 = arith.constant 0 : i32
    %dma_wait3A_67 = tpu.memref_slice %arg6[%dma_wait3A_64, %dma_wait3A_65, %dma_wait3A_66] : memref<4x128x128xf32, #tpu.memory_space<vmem>> -> memref<1x128x128xf32, #tpu.memory_space<vmem>>
    %dma_wait3A_68 = tpu.memref_squeeze %dma_wait3A_67 : memref<1x128x128xf32, #tpu.memory_space<vmem>> -> memref<128x128xf32, #tpu.memory_space<vmem>>
    %dma_wait3A_69 = arith.constant 0 : i32
    %dma_wait3A_70 = tpu.memref_slice %arg5[%dma_wait3A_63, %dma_wait3A_69] : memref<4x128xi32, #tpu.memory_space<vmem>> -> memref<1x128xi32, #tpu.memory_space<vmem>>
    %dma_wait3A_71 = tpu.memref_squeeze %dma_wait3A_70 : memref<1x128xi32, #tpu.memory_space<vmem>> -> memref<128xi32, #tpu.memory_space<vmem>>
    %dma_wait3A_72 = arith.constant 0 : i32
    %dma_wait3A_73 = arith.constant 0 : i32
    %dma_wait3A_74 = tpu.memref_slice %arg2[%dma_wait3A_72, %dma_wait3A_73] : memref<16384x128xf32, #tpu.memory_space<hbm>> -> memref<16384x128xf32, #tpu.memory_space<hbm>>
    tpu.wait_indirect_dma semaphore(%arg7 : memref<!tpu.dma_semaphore, #tpu.memory_space<semaphore_mem>>) src(%dma_wait3A_74 : memref<16384x128xf32, #tpu.memory_space<hbm>>) dst(%dma_wait3A_68 : memref<128x128xf32, #tpu.memory_space<vmem>>)
    %add3A_75 = arith.constant 128 : i32
    %add3A_76 = arith.addi %mul3A_2, %add3A_75 : i32
    %run_scoped3A_77 = arith.constant 1 : i32
    "tpu.region"() ({
      %run_scoped3A_108 = tpu.sem_alloc : memref<!tpu.dma_semaphore, #tpu.memory_space<semaphore_mem>>
      %dma_start3A_109 = arith.constant 0 : i32
      %dma_start3A_110 = arith.constant 0 : i32
      %dma_start3A_111 = tpu.memref_slice %arg6[%run_scoped3A_77, %dma_start3A_109, %dma_start3A_110] : memref<4x128x128xf32, #tpu.memory_space<vmem>> -> memref<1x128x128xf32, #tpu.memory_space<vmem>>
      %dma_start3A_112 = tpu.memref_squeeze %dma_start3A_111 : memref<1x128x128xf32, #tpu.memory_space<vmem>> -> memref<128x128xf32, #tpu.memory_space<vmem>>
      %dma_start3A_113 = arith.constant 0 : i32
      %dma_start3A_114 = tpu.memref_slice %arg4[%add3A_76, %dma_start3A_113] : memref<16384x128xf32, #tpu.memory_space<hbm>> -> memref<128x128xf32, #tpu.memory_space<hbm>>
      %dma_start3A_115 = arith.constant 0 : i32
      %dma_start3A_116 = tpu.memref_slice %arg4[%add3A_76, %dma_start3A_115] : memref<16384x128xf32, #tpu.memory_space<hbm>> -> memref<128x128xf32, #tpu.memory_space<hbm>>
      %dma_start3A_117 = arith.constant 0 : i32
      %dma_start3A_118 = arith.constant 0 : i32
      %dma_start3A_119 = tpu.memref_slice %arg6[%run_scoped3A_77, %dma_start3A_117, %dma_start3A_118] : memref<4x128x128xf32, #tpu.memory_space<vmem>> -> memref<1x128x128xf32, #tpu.memory_space<vmem>>
      %dma_start3A_120 = tpu.memref_squeeze %dma_start3A_119 : memref<1x128x128xf32, #tpu.memory_space<vmem>> -> memref<128x128xf32, #tpu.memory_space<vmem>>
      tpu.enqueue_dma source(%dma_start3A_120 : memref<128x128xf32, #tpu.memory_space<vmem>>) target(%dma_start3A_116 : memref<128x128xf32, #tpu.memory_space<hbm>>) target_semaphore(%run_scoped3A_108 : memref<!tpu.dma_semaphore, #tpu.memory_space<semaphore_mem>>)
      %dma_wait3A_121 = arith.constant 0 : i32
      %dma_wait3A_122 = arith.constant 0 : i32
      %dma_wait3A_123 = tpu.memref_slice %arg6[%run_scoped3A_77, %dma_wait3A_121, %dma_wait3A_122] : memref<4x128x128xf32, #tpu.memory_space<vmem>> -> memref<1x128x128xf32, #tpu.memory_space<vmem>>
      %dma_wait3A_124 = tpu.memref_squeeze %dma_wait3A_123 : memref<1x128x128xf32, #tpu.memory_space<vmem>> -> memref<128x128xf32, #tpu.memory_space<vmem>>
      %dma_wait3A_125 = arith.constant 0 : i32
      %dma_wait3A_126 = tpu.memref_slice %arg4[%add3A_76, %dma_wait3A_125] : memref<16384x128xf32, #tpu.memory_space<hbm>> -> memref<128x128xf32, #tpu.memory_space<hbm>>
      %dma_wait3A_127 = arith.constant 0 : i32
      %dma_wait3A_128 = tpu.memref_slice %arg4[%add3A_76, %dma_wait3A_127] : memref<16384x128xf32, #tpu.memory_space<hbm>> -> memref<128x128xf32, #tpu.memory_space<hbm>>
      %dma_wait3A_129 = arith.constant 0 : i32
      %dma_wait3A_130 = arith.constant 0 : i32
      %dma_wait3A_131 = tpu.memref_slice %arg6[%run_scoped3A_77, %dma_wait3A_129, %dma_wait3A_130] : memref<4x128x128xf32, #tpu.memory_space<vmem>> -> memref<1x128x128xf32, #tpu.memory_space<vmem>>
      %dma_wait3A_132 = tpu.memref_squeeze %dma_wait3A_131 : memref<1x128x128xf32, #tpu.memory_space<vmem>> -> memref<128x128xf32, #tpu.memory_space<vmem>>
      tpu.wait_dma2 semaphore(%run_scoped3A_108 : memref<!tpu.dma_semaphore, #tpu.memory_space<semaphore_mem>>) src(%dma_wait3A_132 : memref<128x128xf32, #tpu.memory_space<vmem>>) dst(%dma_wait3A_128 : memref<128x128xf32, #tpu.memory_space<hbm>>)
      tpu.yield
    }) : () -> ()
    %dma_wait3A_78 = arith.constant 2 : i32
    %dma_wait3A_79 = arith.constant 2 : i32
    %dma_wait3A_80 = arith.constant 0 : i32
    %dma_wait3A_81 = arith.constant 0 : i32
    %dma_wait3A_82 = tpu.memref_slice %arg6[%dma_wait3A_79, %dma_wait3A_80, %dma_wait3A_81] : memref<4x128x128xf32, #tpu.memory_space<vmem>> -> memref<1x128x128xf32, #tpu.memory_space<vmem>>
    %dma_wait3A_83 = tpu.memref_squeeze %dma_wait3A_82 : memref<1x128x128xf32, #tpu.memory_space<vmem>> -> memref<128x128xf32, #tpu.memory_space<vmem>>
    %dma_wait3A_84 = arith.constant 0 : i32
    %dma_wait3A_85 = tpu.memref_slice %arg5[%dma_wait3A_78, %dma_wait3A_84] : memref<4x128xi32, #tpu.memory_space<vmem>> -> memref<1x128xi32, #tpu.memory_space<vmem>>
    %dma_wait3A_86 = tpu.memref_squeeze %dma_wait3A_85 : memref<1x128xi32, #tpu.memory_space<vmem>> -> memref<128xi32, #tpu.memory_space<vmem>>
    %dma_wait3A_87 = arith.constant 0 : i32
    %dma_wait3A_88 = arith.constant 0 : i32
    %dma_wait3A_89 = tpu.memref_slice %arg2[%dma_wait3A_87, %dma_wait3A_88] : memref<16384x128xf32, #tpu.memory_space<hbm>> -> memref<16384x128xf32, #tpu.memory_space<hbm>>
    tpu.wait_indirect_dma semaphore(%arg7 : memref<!tpu.dma_semaphore, #tpu.memory_space<semaphore_mem>>) src(%dma_wait3A_89 : memref<16384x128xf32, #tpu.memory_space<hbm>>) dst(%dma_wait3A_83 : memref<128x128xf32, #tpu.memory_space<vmem>>)
    %add3A_90 = arith.constant 256 : i32
    %add3A_91 = arith.addi %mul3A_2, %add3A_90 : i32
    %run_scoped3A_92 = arith.constant 2 : i32
    "tpu.region"() ({
      %run_scoped3A_108 = tpu.sem_alloc : memref<!tpu.dma_semaphore, #tpu.memory_space<semaphore_mem>>
      %dma_start3A_109 = arith.constant 0 : i32
      %dma_start3A_110 = arith.constant 0 : i32
      %dma_start3A_111 = tpu.memref_slice %arg6[%run_scoped3A_92, %dma_start3A_109, %dma_start3A_110] : memref<4x128x128xf32, #tpu.memory_space<vmem>> -> memref<1x128x128xf32, #tpu.memory_space<vmem>>
      %dma_start3A_112 = tpu.memref_squeeze %dma_start3A_111 : memref<1x128x128xf32, #tpu.memory_space<vmem>> -> memref<128x128xf32, #tpu.memory_space<vmem>>
      %dma_start3A_113 = arith.constant 0 : i32
      %dma_start3A_114 = tpu.memref_slice %arg4[%add3A_91, %dma_start3A_113] : memref<16384x128xf32, #tpu.memory_space<hbm>> -> memref<128x128xf32, #tpu.memory_space<hbm>>
      %dma_start3A_115 = arith.constant 0 : i32
      %dma_start3A_116 = tpu.memref_slice %arg4[%add3A_91, %dma_start3A_115] : memref<16384x128xf32, #tpu.memory_space<hbm>> -> memref<128x128xf32, #tpu.memory_space<hbm>>
      %dma_start3A_117 = arith.constant 0 : i32
      %dma_start3A_118 = arith.constant 0 : i32
      %dma_start3A_119 = tpu.memref_slice %arg6[%run_scoped3A_92, %dma_start3A_117, %dma_start3A_118] : memref<4x128x128xf32, #tpu.memory_space<vmem>> -> memref<1x128x128xf32, #tpu.memory_space<vmem>>
      %dma_start3A_120 = tpu.memref_squeeze %dma_start3A_119 : memref<1x128x128xf32, #tpu.memory_space<vmem>> -> memref<128x128xf32, #tpu.memory_space<vmem>>
      tpu.enqueue_dma source(%dma_start3A_120 : memref<128x128xf32, #tpu.memory_space<vmem>>) target(%dma_start3A_116 : memref<128x128xf32, #tpu.memory_space<hbm>>) target_semaphore(%run_scoped3A_108 : memref<!tpu.dma_semaphore, #tpu.memory_space<semaphore_mem>>)
      %dma_wait3A_121 = arith.constant 0 : i32
      %dma_wait3A_122 = arith.constant 0 : i32
      %dma_wait3A_123 = tpu.memref_slice %arg6[%run_scoped3A_92, %dma_wait3A_121, %dma_wait3A_122] : memref<4x128x128xf32, #tpu.memory_space<vmem>> -> memref<1x128x128xf32, #tpu.memory_space<vmem>>
      %dma_wait3A_124 = tpu.memref_squeeze %dma_wait3A_123 : memref<1x128x128xf32, #tpu.memory_space<vmem>> -> memref<128x128xf32, #tpu.memory_space<vmem>>
      %dma_wait3A_125 = arith.constant 0 : i32
      %dma_wait3A_126 = tpu.memref_slice %arg4[%add3A_91, %dma_wait3A_125] : memref<16384x128xf32, #tpu.memory_space<hbm>> -> memref<128x128xf32, #tpu.memory_space<hbm>>
      %dma_wait3A_127 = arith.constant 0 : i32
      %dma_wait3A_128 = tpu.memref_slice %arg4[%add3A_91, %dma_wait3A_127] : memref<16384x128xf32, #tpu.memory_space<hbm>> -> memref<128x128xf32, #tpu.memory_space<hbm>>
      %dma_wait3A_129 = arith.constant 0 : i32
      %dma_wait3A_130 = arith.constant 0 : i32
      %dma_wait3A_131 = tpu.memref_slice %arg6[%run_scoped3A_92, %dma_wait3A_129, %dma_wait3A_130] : memref<4x128x128xf32, #tpu.memory_space<vmem>> -> memref<1x128x128xf32, #tpu.memory_space<vmem>>
      %dma_wait3A_132 = tpu.memref_squeeze %dma_wait3A_131 : memref<1x128x128xf32, #tpu.memory_space<vmem>> -> memref<128x128xf32, #tpu.memory_space<vmem>>
      tpu.wait_dma2 semaphore(%run_scoped3A_108 : memref<!tpu.dma_semaphore, #tpu.memory_space<semaphore_mem>>) src(%dma_wait3A_132 : memref<128x128xf32, #tpu.memory_space<vmem>>) dst(%dma_wait3A_128 : memref<128x128xf32, #tpu.memory_space<hbm>>)
      tpu.yield
    }) : () -> ()
    %dma_wait3A_93 = arith.constant 3 : i32
    %dma_wait3A_94 = arith.constant 3 : i32
    %dma_wait3A_95 = arith.constant 0 : i32
    %dma_wait3A_96 = arith.constant 0 : i32
    %dma_wait3A_97 = tpu.memref_slice %arg6[%dma_wait3A_94, %dma_wait3A_95, %dma_wait3A_96] : memref<4x128x128xf32, #tpu.memory_space<vmem>> -> memref<1x128x128xf32, #tpu.memory_space<vmem>>
    %dma_wait3A_98 = tpu.memref_squeeze %dma_wait3A_97 : memref<1x128x128xf32, #tpu.memory_space<vmem>> -> memref<128x128xf32, #tpu.memory_space<vmem>>
    %dma_wait3A_99 = arith.constant 0 : i32
    %dma_wait3A_100 = tpu.memref_slice %arg5[%dma_wait3A_93, %dma_wait3A_99] : memref<4x128xi32, #tpu.memory_space<vmem>> -> memref<1x128xi32, #tpu.memory_space<vmem>>
    %dma_wait3A_101 = tpu.memref_squeeze %dma_wait3A_100 : memref<1x128xi32, #tpu.memory_space<vmem>> -> memref<128xi32, #tpu.memory_space<vmem>>
    %dma_wait3A_102 = arith.constant 0 : i32
    %dma_wait3A_103 = arith.constant 0 : i32
    %dma_wait3A_104 = tpu.memref_slice %arg2[%dma_wait3A_102, %dma_wait3A_103] : memref<16384x128xf32, #tpu.memory_space<hbm>> -> memref<16384x128xf32, #tpu.memory_space<hbm>>
    tpu.wait_indirect_dma semaphore(%arg7 : memref<!tpu.dma_semaphore, #tpu.memory_space<semaphore_mem>>) src(%dma_wait3A_104 : memref<16384x128xf32, #tpu.memory_space<hbm>>) dst(%dma_wait3A_98 : memref<128x128xf32, #tpu.memory_space<vmem>>)
    %add3A_105 = arith.constant 384 : i32
    %add3A_106 = arith.addi %mul3A_2, %add3A_105 : i32
    %run_scoped3A_107 = arith.constant 3 : i32
    "tpu.region"() ({
      %run_scoped3A_108 = tpu.sem_alloc : memref<!tpu.dma_semaphore, #tpu.memory_space<semaphore_mem>>
      %dma_start3A_109 = arith.constant 0 : i32
      %dma_start3A_110 = arith.constant 0 : i32
      %dma_start3A_111 = tpu.memref_slice %arg6[%run_scoped3A_107, %dma_start3A_109, %dma_start3A_110] : memref<4x128x128xf32, #tpu.memory_space<vmem>> -> memref<1x128x128xf32, #tpu.memory_space<vmem>>
      %dma_start3A_112 = tpu.memref_squeeze %dma_start3A_111 : memref<1x128x128xf32, #tpu.memory_space<vmem>> -> memref<128x128xf32, #tpu.memory_space<vmem>>
      %dma_start3A_113 = arith.constant 0 : i32
      %dma_start3A_114 = tpu.memref_slice %arg4[%add3A_106, %dma_start3A_113] : memref<16384x128xf32, #tpu.memory_space<hbm>> -> memref<128x128xf32, #tpu.memory_space<hbm>>
      %dma_start3A_115 = arith.constant 0 : i32
      %dma_start3A_116 = tpu.memref_slice %arg4[%add3A_106, %dma_start3A_115] : memref<16384x128xf32, #tpu.memory_space<hbm>> -> memref<128x128xf32, #tpu.memory_space<hbm>>
      %dma_start3A_117 = arith.constant 0 : i32
      %dma_start3A_118 = arith.constant 0 : i32
      %dma_start3A_119 = tpu.memref_slice %arg6[%run_scoped3A_107, %dma_start3A_117, %dma_start3A_118] : memref<4x128x128xf32, #tpu.memory_space<vmem>> -> memref<1x128x128xf32, #tpu.memory_space<vmem>>
      %dma_start3A_120 = tpu.memref_squeeze %dma_start3A_119 : memref<1x128x128xf32, #tpu.memory_space<vmem>> -> memref<128x128xf32, #tpu.memory_space<vmem>>
      tpu.enqueue_dma source(%dma_start3A_120 : memref<128x128xf32, #tpu.memory_space<vmem>>) target(%dma_start3A_116 : memref<128x128xf32, #tpu.memory_space<hbm>>) target_semaphore(%run_scoped3A_108 : memref<!tpu.dma_semaphore, #tpu.memory_space<semaphore_mem>>)
      %dma_wait3A_121 = arith.constant 0 : i32
      %dma_wait3A_122 = arith.constant 0 : i32
      %dma_wait3A_123 = tpu.memref_slice %arg6[%run_scoped3A_107, %dma_wait3A_121, %dma_wait3A_122] : memref<4x128x128xf32, #tpu.memory_space<vmem>> -> memref<1x128x128xf32, #tpu.memory_space<vmem>>
      %dma_wait3A_124 = tpu.memref_squeeze %dma_wait3A_123 : memref<1x128x128xf32, #tpu.memory_space<vmem>> -> memref<128x128xf32, #tpu.memory_space<vmem>>
      %dma_wait3A_125 = arith.constant 0 : i32
      %dma_wait3A_126 = tpu.memref_slice %arg4[%add3A_106, %dma_wait3A_125] : memref<16384x128xf32, #tpu.memory_space<hbm>> -> memref<128x128xf32, #tpu.memory_space<hbm>>
      %dma_wait3A_127 = arith.constant 0 : i32
      %dma_wait3A_128 = tpu.memref_slice %arg4[%add3A_106, %dma_wait3A_127] : memref<16384x128xf32, #tpu.memory_space<hbm>> -> memref<128x128xf32, #tpu.memory_space<hbm>>
      %dma_wait3A_129 = arith.constant 0 : i32
      %dma_wait3A_130 = arith.constant 0 : i32
      %dma_wait3A_131 = tpu.memref_slice %arg6[%run_scoped3A_107, %dma_wait3A_129, %dma_wait3A_130] : memref<4x128x128xf32, #tpu.memory_space<vmem>> -> memref<1x128x128xf32, #tpu.memory_space<vmem>>
      %dma_wait3A_132 = tpu.memref_squeeze %dma_wait3A_131 : memref<1x128x128xf32, #tpu.memory_space<vmem>> -> memref<128x128xf32, #tpu.memory_space<vmem>>
      tpu.wait_dma2 semaphore(%run_scoped3A_108 : memref<!tpu.dma_semaphore, #tpu.memory_space<semaphore_mem>>) src(%dma_wait3A_132 : memref<128x128xf32, #tpu.memory_space<vmem>>) dst(%dma_wait3A_128 : memref<128x128xf32, #tpu.memory_space<hbm>>)
      tpu.yield
    }) : () -> ()
    return
  }
}

module attributes {stable_mosaic.version = 14 : i64} {
  func.func @_maxgrp_body(%arg0: i32, %arg1: i32, %arg2: memref<1x2048x1xf32, #tpu.memory_space<vmem>>, %arg3: memref<1x1xi32, #tpu.memory_space<smem>>) attributes {dimension_semantics = [#tpu.dimension_semantics<arbitrary>, #tpu.dimension_semantics<arbitrary>], iteration_bounds = array<i64: 8, 8>, scalar_prefetch = 0 : i64, scratch_operands = 0 : i64, tpu.core_type = #tpu.core_type<tc>, window_params = [{transform_indices = @transform_0, window_bounds = array<i64: 1, 2048, 1>}, {transform_indices = @transform_1, window_bounds = array<i64: 1, 1>}]} {
    %mul3A = arith.constant 256 : i32
    %mul3A_0 = arith.muli %arg1, %mul3A : i32
    %multiple_of3A = tpu.assume_multiple %mul3A_0, 256 : i32
    %sub3A = arith.constant 64 : i32
    %sub3A_1 = arith.subi %multiple_of3A, %sub3A : i32
    %jit3A = arith.constant 0 : i32
    %jit3A_2 = arith.constant 1664 : i32
    %max3A = arith.maxsi %jit3A, %sub3A_1 : i32
    %min3A = arith.minsi %jit3A_2, %max3A : i32
    %multiple_of3A_3 = tpu.assume_multiple %min3A, 64 : i32
    %get3A = arith.constant 0 : index
    %get3A_4 = arith.index_cast %multiple_of3A : i32 to index
    %get3A_5 = arith.constant 0 : index
    %get3A_6 = vector.load %arg2[%get3A, %get3A_4, %get3A_5] : memref<1x2048x1xf32, #tpu.memory_space<vmem>>, vector<1x256x1xf32>
    %get3A_7 = vector.shape_cast %get3A_6 : vector<1x256x1xf32> to vector<256x1xf32>
    %get3A_8 = arith.constant 0 : index
    %get3A_9 = arith.index_cast %multiple_of3A_3 : i32 to index
    %get3A_10 = arith.constant 0 : index
    %get3A_11 = vector.load %arg2[%get3A_8, %get3A_9, %get3A_10] : memref<1x2048x1xf32, #tpu.memory_space<vmem>>, vector<1x384x1xf32>
    %get3A_12 = vector.shape_cast %get3A_11 : vector<1x384x1xf32> to vector<384x1xf32>
    %iota3A = tpu.iota {dimensions = array<i32: 0>} : vector<384x384xi32>
    %iota3A_13 = tpu.iota {dimensions = array<i32: 1>} : vector<384x384xi32>
    %eq3A = arith.cmpi eq, %iota3A, %iota3A_13 : vector<384x384xi32>
    %convert_element_type3A = arith.extui %eq3A : vector<384x384xi1> to vector<384x384xi32>
    %convert_element_type3A_14 = arith.sitofp %convert_element_type3A : vector<384x384xi32> to vector<384x384xf32>
    %dot_general3A = arith.constant dense<0.000000e+00> : vector<1x384xf32>
    %dot_general3A_15 = tpu.matmul %get3A_12, %convert_element_type3A_14, %dot_general3A {dimension_numbers = #tpu.dot_dimension_numbers<[0], [0], [1], [1], [0, 1, 1, 1], [], []>, transpose_lhs_hint = false} : vector<384x1xf32>, vector<384x384xf32>, vector<1x384xf32> -> vector<1x384xf32>
    %eq3A_16 = vector.broadcast %get3A_7 : vector<256x1xf32> to vector<256x384xf32>
    %eq3A_17 = vector.broadcast %dot_general3A_15 : vector<1x384xf32> to vector<256x384xf32>
    %eq3A_18 = arith.cmpf oeq, %eq3A_16, %eq3A_17 : vector<256x384xf32>
    %convert_element_type3A_19 = arith.extui %eq3A_18 : vector<256x384xi1> to vector<256x384xi32>
    %reduce_sum3A = arith.constant dense<0> : vector<256xi32>
    %reduce_sum3A_20 = vector.multi_reduction <add>, %convert_element_type3A_19, %reduce_sum3A [1] : vector<256x384xi32> to vector<256xi32>
    %reduce_max3A = vector.shape_cast %reduce_sum3A_20 : vector<256xi32> to vector<1x256xi32>
    %reduce_max3A_21 = arith.constant dense<-2147483648> : vector<1xi32>
    %reduce_max3A_22 = vector.multi_reduction <maxsi>, %reduce_max3A, %reduce_max3A_21 [1] : vector<1x256xi32> to vector<1xi32>
    %reduce_max3A_23 = vector.shape_cast %reduce_max3A_22 : vector<1xi32> to vector<1x1xi32>
    %reduce_max3A_24 = vector.extract %reduce_max3A_23[0, 0] : i32 from vector<1x1xi32>
    %eq3A_25 = arith.constant 0 : i32
    %eq3A_26 = arith.cmpi eq, %arg0, %eq3A_25 : i32
    %eq3A_27 = arith.constant 0 : i32
    %eq3A_28 = arith.cmpi eq, %arg1, %eq3A_27 : i32
    %and3A = arith.andi %eq3A_26, %eq3A_28 : i1
    %convert_element_type3A_29 = arith.extui %and3A : i1 to i32
    %cond3A = arith.constant 0 : i32
    %cond3A_30 = arith.cmpi ne, %convert_element_type3A_29, %cond3A : i32
    scf.if %cond3A_30 {
      %swap3A = arith.constant 0 : index
      %swap3A_40 = arith.constant 0 : index
      %swap3A_41 = memref.load %arg3[%swap3A, %swap3A_40] : memref<1x1xi32, #tpu.memory_space<smem>>
      memref.store %reduce_max3A_24, %arg3[%swap3A, %swap3A_40] : memref<1x1xi32, #tpu.memory_space<smem>>
    } else {
    }
    %eq3A_31 = arith.constant 0 : i32
    %eq3A_32 = arith.cmpi eq, %arg0, %eq3A_31 : i32
    %eq3A_33 = arith.constant 0 : i32
    %eq3A_34 = arith.cmpi eq, %arg1, %eq3A_33 : i32
    %and3A_35 = arith.andi %eq3A_32, %eq3A_34 : i1
    %not3A = arith.constant true
    %not3A_36 = arith.xori %and3A_35, %not3A : i1
    %convert_element_type3A_37 = arith.extui %not3A_36 : i1 to i32
    %cond3A_38 = arith.constant 0 : i32
    %cond3A_39 = arith.cmpi ne, %convert_element_type3A_37, %cond3A_38 : i32
    scf.if %cond3A_39 {
      %get3A_40 = arith.constant 0 : index
      %get3A_41 = arith.constant 0 : index
      %get3A_42 = memref.load %arg3[%get3A_40, %get3A_41] : memref<1x1xi32, #tpu.memory_space<smem>>
      %max3A_43 = arith.maxsi %get3A_42, %reduce_max3A_24 : i32
      %swap3A = arith.constant 0 : index
      %swap3A_44 = arith.constant 0 : index
      %swap3A_45 = memref.load %arg3[%swap3A, %swap3A_44] : memref<1x1xi32, #tpu.memory_space<smem>>
      memref.store %max3A_43, %arg3[%swap3A, %swap3A_44] : memref<1x1xi32, #tpu.memory_space<smem>>
    } else {
    }
    return
  }
  func.func @transform_0(%arg0: i32, %arg1: i32) -> (i32, i32, i32) {
    %c0_i32 = arith.constant 0 : i32
    %c0_i32_0 = arith.constant 0 : i32
    %c0_i32_1 = arith.constant 0 : i32
    return %arg0, %c0_i32, %c0_i32_0 : i32, i32, i32
  }
  func.func @transform_1(%arg0: i32, %arg1: i32) -> (i32, i32) {
    %c0_i32 = arith.constant 0 : i32
    %c0_i32_0 = arith.constant 0 : i32
    %c0_i32_1 = arith.constant 0 : i32
    return %c0_i32, %c0_i32_0 : i32, i32
  }
}

module attributes {stable_mosaic.version = 14 : i64} {
  func.func @_attn_body(%arg0: i32, %arg1: i32, %arg2: memref<1x1xi32, #tpu.memory_space<smem>>, %arg3: memref<1x2048x128xf32, #tpu.memory_space<vmem>>, %arg4: memref<1x2048x1xf32, #tpu.memory_space<vmem>>, %arg5: memref<128x128xf32, #tpu.memory_space<vmem>>, %arg6: memref<128x128xf32, #tpu.memory_space<vmem>>, %arg7: memref<128x128xf32, #tpu.memory_space<vmem>>, %arg8: memref<128x128xf32, #tpu.memory_space<vmem>>, %arg9: memref<1x256x128xf32, #tpu.memory_space<vmem>>) attributes {dimension_semantics = [#tpu.dimension_semantics<arbitrary>, #tpu.dimension_semantics<arbitrary>], iteration_bounds = array<i64: 8, 8>, scalar_prefetch = 0 : i64, scratch_operands = 0 : i64, tpu.core_type = #tpu.core_type<tc>, window_params = [{transform_indices = @transform_0, window_bounds = array<i64: 1, 1>}, {transform_indices = @transform_1, window_bounds = array<i64: 1, 2048, 128>}, {transform_indices = @transform_2, window_bounds = array<i64: 1, 2048, 1>}, {pipeline_mode = #tpu.pipeline_mode<synchronous>, transform_indices = @transform_3, window_bounds = array<i64: 128, 128>}, {pipeline_mode = #tpu.pipeline_mode<synchronous>, transform_indices = @transform_4, window_bounds = array<i64: 128, 128>}, {pipeline_mode = #tpu.pipeline_mode<synchronous>, transform_indices = @transform_5, window_bounds = array<i64: 128, 128>}, {pipeline_mode = #tpu.pipeline_mode<synchronous>, transform_indices = @transform_6, window_bounds = array<i64: 128, 128>}, {transform_indices = @transform_7, window_bounds = array<i64: 1, 256, 128>}]} {
    %mul3A = arith.constant 256 : i32
    %mul3A_0 = arith.muli %arg1, %mul3A : i32
    %multiple_of3A = tpu.assume_multiple %mul3A_0, 256 : i32
    %add3A = arith.constant 0 : i32
    %add3A_1 = arith.addi %multiple_of3A, %add3A : i32
    %multiple_of3A_2 = tpu.assume_multiple %add3A_1, 128 : i32
    %sub3A = arith.constant 64 : i32
    %sub3A_3 = arith.subi %multiple_of3A_2, %sub3A : i32
    %jit3A = arith.constant 0 : i32
    %jit3A_4 = arith.constant 1792 : i32
    %max3A = arith.maxsi %jit3A, %sub3A_3 : i32
    %min3A = arith.minsi %jit3A_4, %max3A : i32
    %multiple_of3A_5 = tpu.assume_multiple %min3A, 64 : i32
    %get3A = arith.constant 0 : index
    %get3A_6 = arith.index_cast %multiple_of3A_2 : i32 to index
    %get3A_7 = arith.constant 0 : index
    %get3A_8 = vector.load %arg3[%get3A, %get3A_6, %get3A_7] : memref<1x2048x128xf32, #tpu.memory_space<vmem>>, vector<1x128x128xf32>
    %get3A_9 = vector.shape_cast %get3A_8 : vector<1x128x128xf32> to vector<128x128xf32>
    %get3A_10 = arith.constant 0 : index
    %get3A_11 = arith.index_cast %multiple_of3A_5 : i32 to index
    %get3A_12 = arith.constant 0 : index
    %get3A_13 = vector.load %arg3[%get3A_10, %get3A_11, %get3A_12] : memref<1x2048x128xf32, #tpu.memory_space<vmem>>, vector<1x256x128xf32>
    %get3A_14 = vector.shape_cast %get3A_13 : vector<1x256x128xf32> to vector<256x128xf32>
    %get3A_15 = arith.constant 0 : index
    %get3A_16 = arith.constant 0 : index
    %get3A_17 = vector.load %arg5[%get3A_15, %get3A_16] : memref<128x128xf32, #tpu.memory_space<vmem>>, vector<128x128xf32>
    %dot_general3A = arith.constant dense<0.000000e+00> : vector<128x128xf32>
    %dot_general3A_18 = tpu.matmul %get3A_9, %get3A_17, %dot_general3A {dimension_numbers = #tpu.dot_dimension_numbers<[1], [0], [0], [1], [0, 0, 1, 1], [], []>, transpose_lhs_hint = false} : vector<128x128xf32>, vector<128x128xf32>, vector<128x128xf32> -> vector<128x128xf32>
    %get3A_19 = arith.constant 0 : index
    %get3A_20 = arith.constant 0 : index
    %get3A_21 = vector.load %arg6[%get3A_19, %get3A_20] : memref<128x128xf32, #tpu.memory_space<vmem>>, vector<128x128xf32>
    %dot_general3A_22 = arith.constant dense<0.000000e+00> : vector<256x128xf32>
    %dot_general3A_23 = tpu.matmul %get3A_14, %get3A_21, %dot_general3A_22 {dimension_numbers = #tpu.dot_dimension_numbers<[1], [0], [0], [1], [0, 0, 1, 1], [], []>, transpose_lhs_hint = false} : vector<256x128xf32>, vector<128x128xf32>, vector<256x128xf32> -> vector<256x128xf32>
    %get3A_24 = arith.constant 0 : index
    %get3A_25 = arith.constant 0 : index
    %get3A_26 = vector.load %arg7[%get3A_24, %get3A_25] : memref<128x128xf32, #tpu.memory_space<vmem>>, vector<128x128xf32>
    %dot_general3A_27 = arith.constant dense<0.000000e+00> : vector<256x128xf32>
    %dot_general3A_28 = tpu.matmul %get3A_14, %get3A_26, %dot_general3A_27 {dimension_numbers = #tpu.dot_dimension_numbers<[1], [0], [0], [1], [0, 0, 1, 1], [], []>, transpose_lhs_hint = false} : vector<256x128xf32>, vector<128x128xf32>, vector<256x128xf32> -> vector<256x128xf32>
    %get3A_29 = arith.constant 0 : index
    %get3A_30 = arith.index_cast %multiple_of3A_2 : i32 to index
    %get3A_31 = arith.constant 0 : index
    %get3A_32 = vector.load %arg4[%get3A_29, %get3A_30, %get3A_31] : memref<1x2048x1xf32, #tpu.memory_space<vmem>>, vector<1x128x1xf32>
    %get3A_33 = vector.shape_cast %get3A_32 : vector<1x128x1xf32> to vector<128x1xf32>
    %get3A_34 = arith.constant 0 : index
    %get3A_35 = arith.index_cast %multiple_of3A_5 : i32 to index
    %get3A_36 = arith.constant 0 : index
    %get3A_37 = vector.load %arg4[%get3A_34, %get3A_35, %get3A_36] : memref<1x2048x1xf32, #tpu.memory_space<vmem>>, vector<1x256x1xf32>
    %get3A_38 = vector.shape_cast %get3A_37 : vector<1x256x1xf32> to vector<256x1xf32>
    %iota3A = tpu.iota {dimensions = array<i32: 0>} : vector<256x256xi32>
    %iota3A_39 = tpu.iota {dimensions = array<i32: 1>} : vector<256x256xi32>
    %eq3A = arith.cmpi eq, %iota3A, %iota3A_39 : vector<256x256xi32>
    %convert_element_type3A = arith.extui %eq3A : vector<256x256xi1> to vector<256x256xi32>
    %convert_element_type3A_40 = arith.sitofp %convert_element_type3A : vector<256x256xi32> to vector<256x256xf32>
    %dot_general3A_41 = arith.constant dense<0.000000e+00> : vector<1x256xf32>
    %dot_general3A_42 = tpu.matmul %get3A_38, %convert_element_type3A_40, %dot_general3A_41 {dimension_numbers = #tpu.dot_dimension_numbers<[0], [0], [1], [1], [0, 1, 1, 1], [], []>, transpose_lhs_hint = false} : vector<256x1xf32>, vector<256x256xf32>, vector<1x256xf32> -> vector<1x256xf32>
    %eq3A_43 = vector.broadcast %get3A_33 : vector<128x1xf32> to vector<128x256xf32>
    %eq3A_44 = vector.broadcast %dot_general3A_42 : vector<1x256xf32> to vector<128x256xf32>
    %eq3A_45 = arith.cmpf oeq, %eq3A_43, %eq3A_44 : vector<128x256xf32>
    %jit3A_46 = arith.constant 0.000000e+00 : f32
    %jit3A_47 = arith.constant -1.000000e+30 : f32
    %broadcast_in_dim3A = vector.broadcast %jit3A_46 : f32 to vector<128x256xf32>
    %broadcast_in_dim3A_48 = vector.broadcast %jit3A_47 : f32 to vector<128x256xf32>
    %select_n3A = arith.select %eq3A_45, %broadcast_in_dim3A, %broadcast_in_dim3A_48 : vector<128x256xi1>, vector<128x256xf32>
    %convert_element_type3A_49 = arith.extui %eq3A_45 : vector<128x256xi1> to vector<128x256xi32>
    %convert_element_type3A_50 = arith.sitofp %convert_element_type3A_49 : vector<128x256xi32> to vector<128x256xf32>
    %reduce_sum3A = arith.constant dense<0.000000e+00> : vector<128xf32>
    %reduce_sum3A_51 = vector.multi_reduction <add>, %convert_element_type3A_50, %reduce_sum3A [1] : vector<128x256xf32> to vector<128xf32>
    %broadcast_in_dim3A_52 = vector.shape_cast %reduce_sum3A_51 : vector<128xf32> to vector<128x1xf32>
    %get3A_53 = arith.constant 0 : index
    %get3A_54 = arith.constant 0 : index
    %get3A_55 = memref.load %arg2[%get3A_53, %get3A_54] : memref<1x1xi32, #tpu.memory_space<smem>>
    %convert_element_type3A_56 = arith.sitofp %get3A_55 : i32 to f32
    %iota3A_57 = tpu.iota {dimensions = array<i32: 1>} : vector<128x128xi32>
    %jit3A_58 = arith.constant 16 : i32
    %div3A = vector.broadcast %jit3A_58 : i32 to vector<128x128xi32>
    %div3A_59 = arith.divsi %iota3A_57, %div3A : vector<128x128xi32>
    %sign3A = arith.constant 0 : i32
    %sign3A_60 = vector.broadcast %sign3A : i32 to vector<128x128xi32>
    %sign3A_61 = arith.cmpi sgt, %iota3A_57, %sign3A_60 : vector<128x128xi32>
    %sign3A_62 = arith.extui %sign3A_61 : vector<128x128xi1> to vector<128x128xi32>
    %sign3A_63 = arith.constant 0 : i32
    %sign3A_64 = vector.broadcast %sign3A_63 : i32 to vector<128x128xi32>
    %sign3A_65 = arith.cmpi slt, %iota3A_57, %sign3A_64 : vector<128x128xi32>
    %sign3A_66 = arith.extui %sign3A_65 : vector<128x128xi1> to vector<128x128xi32>
    %sign3A_67 = arith.subi %sign3A_62, %sign3A_66 : vector<128x128xi32>
    %sign3A_68 = arith.constant 0 : i32
    %sign3A_69 = arith.cmpi sgt, %jit3A_58, %sign3A_68 : i32
    %sign3A_70 = arith.extui %sign3A_69 : i1 to i32
    %sign3A_71 = arith.constant 0 : i32
    %sign3A_72 = arith.cmpi slt, %jit3A_58, %sign3A_71 : i32
    %sign3A_73 = arith.extui %sign3A_72 : i1 to i32
    %sign3A_74 = arith.subi %sign3A_70, %sign3A_73 : i32
    %ne3A = vector.broadcast %sign3A_74 : i32 to vector<128x128xi32>
    %ne3A_75 = arith.cmpi ne, %sign3A_67, %ne3A : vector<128x128xi32>
    %rem3A = vector.broadcast %jit3A_58 : i32 to vector<128x128xi32>
    %rem3A_76 = arith.remsi %iota3A_57, %rem3A : vector<128x128xi32>
    %ne3A_77 = arith.constant 0 : i32
    %ne3A_78 = vector.broadcast %ne3A_77 : i32 to vector<128x128xi32>
    %ne3A_79 = arith.cmpi ne, %rem3A_76, %ne3A_78 : vector<128x128xi32>
    %and3A = arith.andi %ne3A_75, %ne3A_79 : vector<128x128xi1>
    %sub3A_80 = arith.constant 1 : i32
    %sub3A_81 = vector.broadcast %sub3A_80 : i32 to vector<128x128xi32>
    %sub3A_82 = arith.subi %div3A_59, %sub3A_81 : vector<128x128xi32>
    %select_n3A_83 = arith.select %and3A, %sub3A_82, %div3A_59 : vector<128x128xi1>, vector<128x128xi32>
    %eq3A_84 = arith.constant 0 : i32
    %eq3A_85 = vector.broadcast %eq3A_84 : i32 to vector<128x128xi32>
    %eq3A_86 = arith.cmpi eq, %select_n3A_83, %eq3A_85 : vector<128x128xi32>
    %jit3A_87 = arith.constant 0.000000e+00 : f32
    %broadcast_in_dim3A_88 = vector.broadcast %jit3A_87 : f32 to vector<128x128xf32>
    %select_n3A_89 = arith.select %eq3A_86, %dot_general3A_18, %broadcast_in_dim3A_88 : vector<128x128xi1>, vector<128x128xf32>
    %eq3A_90 = arith.constant 1 : i32
    %eq3A_91 = vector.broadcast %eq3A_90 : i32 to vector<128x128xi32>
    %eq3A_92 = arith.cmpi eq, %select_n3A_83, %eq3A_91 : vector<128x128xi32>
    %jit3A_93 = arith.constant 0.000000e+00 : f32
    %broadcast_in_dim3A_94 = vector.broadcast %jit3A_93 : f32 to vector<128x128xf32>
    %select_n3A_95 = arith.select %eq3A_92, %dot_general3A_18, %broadcast_in_dim3A_94 : vector<128x128xi1>, vector<128x128xf32>
    %eq3A_96 = arith.constant 2 : i32
    %eq3A_97 = vector.broadcast %eq3A_96 : i32 to vector<128x128xi32>
    %eq3A_98 = arith.cmpi eq, %select_n3A_83, %eq3A_97 : vector<128x128xi32>
    %jit3A_99 = arith.constant 0.000000e+00 : f32
    %broadcast_in_dim3A_100 = vector.broadcast %jit3A_99 : f32 to vector<128x128xf32>
    %select_n3A_101 = arith.select %eq3A_98, %dot_general3A_18, %broadcast_in_dim3A_100 : vector<128x128xi1>, vector<128x128xf32>
    %eq3A_102 = arith.constant 3 : i32
    %eq3A_103 = vector.broadcast %eq3A_102 : i32 to vector<128x128xi32>
    %eq3A_104 = arith.cmpi eq, %select_n3A_83, %eq3A_103 : vector<128x128xi32>
    %jit3A_105 = arith.constant 0.000000e+00 : f32
    %broadcast_in_dim3A_106 = vector.broadcast %jit3A_105 : f32 to vector<128x128xf32>
    %select_n3A_107 = arith.select %eq3A_104, %dot_general3A_18, %broadcast_in_dim3A_106 : vector<128x128xi1>, vector<128x128xf32>
    %eq3A_108 = arith.constant 4 : i32
    %eq3A_109 = vector.broadcast %eq3A_108 : i32 to vector<128x128xi32>
    %eq3A_110 = arith.cmpi eq, %select_n3A_83, %eq3A_109 : vector<128x128xi32>
    %jit3A_111 = arith.constant 0.000000e+00 : f32
    %broadcast_in_dim3A_112 = vector.broadcast %jit3A_111 : f32 to vector<128x128xf32>
    %select_n3A_113 = arith.select %eq3A_110, %dot_general3A_18, %broadcast_in_dim3A_112 : vector<128x128xi1>, vector<128x128xf32>
    %eq3A_114 = arith.constant 5 : i32
    %eq3A_115 = vector.broadcast %eq3A_114 : i32 to vector<128x128xi32>
    %eq3A_116 = arith.cmpi eq, %select_n3A_83, %eq3A_115 : vector<128x128xi32>
    %jit3A_117 = arith.constant 0.000000e+00 : f32
    %broadcast_in_dim3A_118 = vector.broadcast %jit3A_117 : f32 to vector<128x128xf32>
    %select_n3A_119 = arith.select %eq3A_116, %dot_general3A_18, %broadcast_in_dim3A_118 : vector<128x128xi1>, vector<128x128xf32>
    %eq3A_120 = arith.constant 6 : i32
    %eq3A_121 = vector.broadcast %eq3A_120 : i32 to vector<128x128xi32>
    %eq3A_122 = arith.cmpi eq, %select_n3A_83, %eq3A_121 : vector<128x128xi32>
    %jit3A_123 = arith.constant 0.000000e+00 : f32
    %broadcast_in_dim3A_124 = vector.broadcast %jit3A_123 : f32 to vector<128x128xf32>
    %select_n3A_125 = arith.select %eq3A_122, %dot_general3A_18, %broadcast_in_dim3A_124 : vector<128x128xi1>, vector<128x128xf32>
    %eq3A_126 = arith.constant 7 : i32
    %eq3A_127 = vector.broadcast %eq3A_126 : i32 to vector<128x128xi32>
    %eq3A_128 = arith.cmpi eq, %select_n3A_83, %eq3A_127 : vector<128x128xi32>
    %jit3A_129 = arith.constant 0.000000e+00 : f32
    %broadcast_in_dim3A_130 = vector.broadcast %jit3A_129 : f32 to vector<128x128xf32>
    %select_n3A_131 = arith.select %eq3A_128, %dot_general3A_18, %broadcast_in_dim3A_130 : vector<128x128xi1>, vector<128x128xf32>
    %concatenate3A = tpu.concatenate %select_n3A_89, %select_n3A_95, %select_n3A_101, %select_n3A_107, %select_n3A_113, %select_n3A_119, %select_n3A_125, %select_n3A_131 in 0 : vector<128x128xf32>, vector<128x128xf32>, vector<128x128xf32>, vector<128x128xf32>, vector<128x128xf32>, vector<128x128xf32>, vector<128x128xf32>, vector<128x128xf32> -> vector<1024x128xf32>
    %dot_general3A_132 = arith.constant dense<0.000000e+00> : vector<1024x256xf32>
    %dot_general3A_133 = tpu.matmul %concatenate3A, %dot_general3A_23, %dot_general3A_132 {dimension_numbers = #tpu.dot_dimension_numbers<[1], [1], [0], [0], [0, 0, 1, 0], [], []>, transpose_lhs_hint = false} : vector<1024x128xf32>, vector<256x128xf32>, vector<1024x256xf32> -> vector<1024x256xf32>
    %concatenate3A_134 = tpu.concatenate %select_n3A, %select_n3A, %select_n3A, %select_n3A, %select_n3A, %select_n3A, %select_n3A, %select_n3A in 0 : vector<128x256xf32>, vector<128x256xf32>, vector<128x256xf32>, vector<128x256xf32>, vector<128x256xf32>, vector<128x256xf32>, vector<128x256xf32>, vector<128x256xf32> -> vector<1024x256xf32>
    %add3A_135 = arith.addf %dot_general3A_133, %concatenate3A_134 : vector<1024x256xf32>
    %exp3A = math.exp %add3A_135 : vector<1024x256xf32>
    %concatenate3A_136 = tpu.concatenate %broadcast_in_dim3A_52, %broadcast_in_dim3A_52, %broadcast_in_dim3A_52, %broadcast_in_dim3A_52, %broadcast_in_dim3A_52, %broadcast_in_dim3A_52, %broadcast_in_dim3A_52, %broadcast_in_dim3A_52 in 0 : vector<128x1xf32>, vector<128x1xf32>, vector<128x1xf32>, vector<128x1xf32>, vector<128x1xf32>, vector<128x1xf32>, vector<128x1xf32>, vector<128x1xf32> -> vector<1024x1xf32>
    %reduce_sum3A_137 = arith.constant dense<0.000000e+00> : vector<1024xf32>
    %reduce_sum3A_138 = vector.multi_reduction <add>, %exp3A, %reduce_sum3A_137 [1] : vector<1024x256xf32> to vector<1024xf32>
    %broadcast_in_dim3A_139 = vector.shape_cast %reduce_sum3A_138 : vector<1024xf32> to vector<1024x1xf32>
    %sub3A_140 = vector.broadcast %convert_element_type3A_56 : f32 to vector<1024x1xf32>
    %sub3A_141 = arith.subf %sub3A_140, %concatenate3A_136 : vector<1024x1xf32>
    %add3A_142 = arith.addf %broadcast_in_dim3A_139, %sub3A_141 : vector<1024x1xf32>
    %div3A_143 = arith.constant 1.000000e+00 : f32
    %div3A_144 = vector.broadcast %div3A_143 : f32 to vector<1024x1xf32>
    %div3A_145 = arith.divf %div3A_144, %add3A_142 : vector<1024x1xf32>
    %dot_general3A_146 = arith.constant dense<0.000000e+00> : vector<1024x128xf32>
    %dot_general3A_147 = tpu.matmul %exp3A, %dot_general3A_28, %dot_general3A_146 {dimension_numbers = #tpu.dot_dimension_numbers<[1], [0], [0], [1], [0, 0, 1, 1], [], []>, transpose_lhs_hint = false} : vector<1024x256xf32>, vector<256x128xf32>, vector<1024x128xf32> -> vector<1024x128xf32>
    %broadcast_in_dim3A_148 = arith.constant 0.000000e+00 : f32
    %broadcast_in_dim3A_149 = vector.broadcast %broadcast_in_dim3A_148 : f32 to vector<128x128xf32>
    %slice3A = vector.extract_strided_slice %dot_general3A_147 {offsets = [0, 0], sizes = [128, 128], strides = [1, 1]} : vector<1024x128xf32> to vector<128x128xf32>
    %slice3A_150 = vector.extract_strided_slice %div3A_145 {offsets = [0, 0], sizes = [128, 1], strides = [1, 1]} : vector<1024x1xf32> to vector<128x1xf32>
    %mul3A_151 = vector.broadcast %slice3A_150 : vector<128x1xf32> to vector<128x128xf32>
    %mul3A_152 = arith.mulf %slice3A, %mul3A_151 : vector<128x128xf32>
    %eq3A_153 = arith.constant 0 : i32
    %eq3A_154 = vector.broadcast %eq3A_153 : i32 to vector<128x128xi32>
    %eq3A_155 = arith.cmpi eq, %select_n3A_83, %eq3A_154 : vector<128x128xi32>
    %jit3A_156 = arith.constant 0.000000e+00 : f32
    %broadcast_in_dim3A_157 = vector.broadcast %jit3A_156 : f32 to vector<128x128xf32>
    %select_n3A_158 = arith.select %eq3A_155, %mul3A_152, %broadcast_in_dim3A_157 : vector<128x128xi1>, vector<128x128xf32>
    %add3A_159 = arith.addf %broadcast_in_dim3A_149, %select_n3A_158 : vector<128x128xf32>
    %slice3A_160 = vector.extract_strided_slice %dot_general3A_147 {offsets = [128, 0], sizes = [128, 128], strides = [1, 1]} : vector<1024x128xf32> to vector<128x128xf32>
    %slice3A_161 = vector.extract_strided_slice %div3A_145 {offsets = [128, 0], sizes = [128, 1], strides = [1, 1]} : vector<1024x1xf32> to vector<128x1xf32>
    %mul3A_162 = vector.broadcast %slice3A_161 : vector<128x1xf32> to vector<128x128xf32>
    %mul3A_163 = arith.mulf %slice3A_160, %mul3A_162 : vector<128x128xf32>
    %eq3A_164 = arith.constant 1 : i32
    %eq3A_165 = vector.broadcast %eq3A_164 : i32 to vector<128x128xi32>
    %eq3A_166 = arith.cmpi eq, %select_n3A_83, %eq3A_165 : vector<128x128xi32>
    %jit3A_167 = arith.constant 0.000000e+00 : f32
    %broadcast_in_dim3A_168 = vector.broadcast %jit3A_167 : f32 to vector<128x128xf32>
    %select_n3A_169 = arith.select %eq3A_166, %mul3A_163, %broadcast_in_dim3A_168 : vector<128x128xi1>, vector<128x128xf32>
    %add3A_170 = arith.addf %add3A_159, %select_n3A_169 : vector<128x128xf32>
    %slice3A_171 = vector.extract_strided_slice %dot_general3A_147 {offsets = [256, 0], sizes = [128, 128], strides = [1, 1]} : vector<1024x128xf32> to vector<128x128xf32>
    %slice3A_172 = vector.extract_strided_slice %div3A_145 {offsets = [256, 0], sizes = [128, 1], strides = [1, 1]} : vector<1024x1xf32> to vector<128x1xf32>
    %mul3A_173 = vector.broadcast %slice3A_172 : vector<128x1xf32> to vector<128x128xf32>
    %mul3A_174 = arith.mulf %slice3A_171, %mul3A_173 : vector<128x128xf32>
    %eq3A_175 = arith.constant 2 : i32
    %eq3A_176 = vector.broadcast %eq3A_175 : i32 to vector<128x128xi32>
    %eq3A_177 = arith.cmpi eq, %select_n3A_83, %eq3A_176 : vector<128x128xi32>
    %jit3A_178 = arith.constant 0.000000e+00 : f32
    %broadcast_in_dim3A_179 = vector.broadcast %jit3A_178 : f32 to vector<128x128xf32>
    %select_n3A_180 = arith.select %eq3A_177, %mul3A_174, %broadcast_in_dim3A_179 : vector<128x128xi1>, vector<128x128xf32>
    %add3A_181 = arith.addf %add3A_170, %select_n3A_180 : vector<128x128xf32>
    %slice3A_182 = vector.extract_strided_slice %dot_general3A_147 {offsets = [384, 0], sizes = [128, 128], strides = [1, 1]} : vector<1024x128xf32> to vector<128x128xf32>
    %slice3A_183 = vector.extract_strided_slice %div3A_145 {offsets = [384, 0], sizes = [128, 1], strides = [1, 1]} : vector<1024x1xf32> to vector<128x1xf32>
    %mul3A_184 = vector.broadcast %slice3A_183 : vector<128x1xf32> to vector<128x128xf32>
    %mul3A_185 = arith.mulf %slice3A_182, %mul3A_184 : vector<128x128xf32>
    %eq3A_186 = arith.constant 3 : i32
    %eq3A_187 = vector.broadcast %eq3A_186 : i32 to vector<128x128xi32>
    %eq3A_188 = arith.cmpi eq, %select_n3A_83, %eq3A_187 : vector<128x128xi32>
    %jit3A_189 = arith.constant 0.000000e+00 : f32
    %broadcast_in_dim3A_190 = vector.broadcast %jit3A_189 : f32 to vector<128x128xf32>
    %select_n3A_191 = arith.select %eq3A_188, %mul3A_185, %broadcast_in_dim3A_190 : vector<128x128xi1>, vector<128x128xf32>
    %add3A_192 = arith.addf %add3A_181, %select_n3A_191 : vector<128x128xf32>
    %slice3A_193 = vector.extract_strided_slice %dot_general3A_147 {offsets = [512, 0], sizes = [128, 128], strides = [1, 1]} : vector<1024x128xf32> to vector<128x128xf32>
    %slice3A_194 = vector.extract_strided_slice %div3A_145 {offsets = [512, 0], sizes = [128, 1], strides = [1, 1]} : vector<1024x1xf32> to vector<128x1xf32>
    %mul3A_195 = vector.broadcast %slice3A_194 : vector<128x1xf32> to vector<128x128xf32>
    %mul3A_196 = arith.mulf %slice3A_193, %mul3A_195 : vector<128x128xf32>
    %eq3A_197 = arith.constant 4 : i32
    %eq3A_198 = vector.broadcast %eq3A_197 : i32 to vector<128x128xi32>
    %eq3A_199 = arith.cmpi eq, %select_n3A_83, %eq3A_198 : vector<128x128xi32>
    %jit3A_200 = arith.constant 0.000000e+00 : f32
    %broadcast_in_dim3A_201 = vector.broadcast %jit3A_200 : f32 to vector<128x128xf32>
    %select_n3A_202 = arith.select %eq3A_199, %mul3A_196, %broadcast_in_dim3A_201 : vector<128x128xi1>, vector<128x128xf32>
    %add3A_203 = arith.addf %add3A_192, %select_n3A_202 : vector<128x128xf32>
    %slice3A_204 = vector.extract_strided_slice %dot_general3A_147 {offsets = [640, 0], sizes = [128, 128], strides = [1, 1]} : vector<1024x128xf32> to vector<128x128xf32>
    %slice3A_205 = vector.extract_strided_slice %div3A_145 {offsets = [640, 0], sizes = [128, 1], strides = [1, 1]} : vector<1024x1xf32> to vector<128x1xf32>
    %mul3A_206 = vector.broadcast %slice3A_205 : vector<128x1xf32> to vector<128x128xf32>
    %mul3A_207 = arith.mulf %slice3A_204, %mul3A_206 : vector<128x128xf32>
    %eq3A_208 = arith.constant 5 : i32
    %eq3A_209 = vector.broadcast %eq3A_208 : i32 to vector<128x128xi32>
    %eq3A_210 = arith.cmpi eq, %select_n3A_83, %eq3A_209 : vector<128x128xi32>
    %jit3A_211 = arith.constant 0.000000e+00 : f32
    %broadcast_in_dim3A_212 = vector.broadcast %jit3A_211 : f32 to vector<128x128xf32>
    %select_n3A_213 = arith.select %eq3A_210, %mul3A_207, %broadcast_in_dim3A_212 : vector<128x128xi1>, vector<128x128xf32>
    %add3A_214 = arith.addf %add3A_203, %select_n3A_213 : vector<128x128xf32>
    %slice3A_215 = vector.extract_strided_slice %dot_general3A_147 {offsets = [768, 0], sizes = [128, 128], strides = [1, 1]} : vector<1024x128xf32> to vector<128x128xf32>
    %slice3A_216 = vector.extract_strided_slice %div3A_145 {offsets = [768, 0], sizes = [128, 1], strides = [1, 1]} : vector<1024x1xf32> to vector<128x1xf32>
    %mul3A_217 = vector.broadcast %slice3A_216 : vector<128x1xf32> to vector<128x128xf32>
    %mul3A_218 = arith.mulf %slice3A_215, %mul3A_217 : vector<128x128xf32>
    %eq3A_219 = arith.constant 6 : i32
    %eq3A_220 = vector.broadcast %eq3A_219 : i32 to vector<128x128xi32>
    %eq3A_221 = arith.cmpi eq, %select_n3A_83, %eq3A_220 : vector<128x128xi32>
    %jit3A_222 = arith.constant 0.000000e+00 : f32
    %broadcast_in_dim3A_223 = vector.broadcast %jit3A_222 : f32 to vector<128x128xf32>
    %select_n3A_224 = arith.select %eq3A_221, %mul3A_218, %broadcast_in_dim3A_223 : vector<128x128xi1>, vector<128x128xf32>
    %add3A_225 = arith.addf %add3A_214, %select_n3A_224 : vector<128x128xf32>
    %slice3A_226 = vector.extract_strided_slice %dot_general3A_147 {offsets = [896, 0], sizes = [128, 128], strides = [1, 1]} : vector<1024x128xf32> to vector<128x128xf32>
    %slice3A_227 = vector.extract_strided_slice %div3A_145 {offsets = [896, 0], sizes = [128, 1], strides = [1, 1]} : vector<1024x1xf32> to vector<128x1xf32>
    %mul3A_228 = vector.broadcast %slice3A_227 : vector<128x1xf32> to vector<128x128xf32>
    %mul3A_229 = arith.mulf %slice3A_226, %mul3A_228 : vector<128x128xf32>
    %eq3A_230 = arith.constant 7 : i32
    %eq3A_231 = vector.broadcast %eq3A_230 : i32 to vector<128x128xi32>
    %eq3A_232 = arith.cmpi eq, %select_n3A_83, %eq3A_231 : vector<128x128xi32>
    %jit3A_233 = arith.constant 0.000000e+00 : f32
    %broadcast_in_dim3A_234 = vector.broadcast %jit3A_233 : f32 to vector<128x128xf32>
    %select_n3A_235 = arith.select %eq3A_232, %mul3A_229, %broadcast_in_dim3A_234 : vector<128x128xi1>, vector<128x128xf32>
    %add3A_236 = arith.addf %add3A_225, %select_n3A_235 : vector<128x128xf32>
    %add3A_237 = arith.constant 128 : i32
    %add3A_238 = arith.addi %multiple_of3A, %add3A_237 : i32
    %multiple_of3A_239 = tpu.assume_multiple %add3A_238, 128 : i32
    %sub3A_240 = arith.constant 64 : i32
    %sub3A_241 = arith.subi %multiple_of3A_239, %sub3A_240 : i32
    %jit3A_242 = arith.constant 0 : i32
    %jit3A_243 = arith.constant 1792 : i32
    %max3A_244 = arith.maxsi %jit3A_242, %sub3A_241 : i32
    %min3A_245 = arith.minsi %jit3A_243, %max3A_244 : i32
    %multiple_of3A_246 = tpu.assume_multiple %min3A_245, 64 : i32
    %get3A_247 = arith.constant 0 : index
    %get3A_248 = arith.index_cast %multiple_of3A_239 : i32 to index
    %get3A_249 = arith.constant 0 : index
    %get3A_250 = vector.load %arg3[%get3A_247, %get3A_248, %get3A_249] : memref<1x2048x128xf32, #tpu.memory_space<vmem>>, vector<1x128x128xf32>
    %get3A_251 = vector.shape_cast %get3A_250 : vector<1x128x128xf32> to vector<128x128xf32>
    %get3A_252 = arith.constant 0 : index
    %get3A_253 = arith.index_cast %multiple_of3A_246 : i32 to index
    %get3A_254 = arith.constant 0 : index
    %get3A_255 = vector.load %arg3[%get3A_252, %get3A_253, %get3A_254] : memref<1x2048x128xf32, #tpu.memory_space<vmem>>, vector<1x256x128xf32>
    %get3A_256 = vector.shape_cast %get3A_255 : vector<1x256x128xf32> to vector<256x128xf32>
    %get3A_257 = arith.constant 0 : index
    %get3A_258 = arith.constant 0 : index
    %get3A_259 = vector.load %arg5[%get3A_257, %get3A_258] : memref<128x128xf32, #tpu.memory_space<vmem>>, vector<128x128xf32>
    %dot_general3A_260 = arith.constant dense<0.000000e+00> : vector<128x128xf32>
    %dot_general3A_261 = tpu.matmul %get3A_251, %get3A_259, %dot_general3A_260 {dimension_numbers = #tpu.dot_dimension_numbers<[1], [0], [0], [1], [0, 0, 1, 1], [], []>, transpose_lhs_hint = false} : vector<128x128xf32>, vector<128x128xf32>, vector<128x128xf32> -> vector<128x128xf32>
    %get3A_262 = arith.constant 0 : index
    %get3A_263 = arith.constant 0 : index
    %get3A_264 = vector.load %arg6[%get3A_262, %get3A_263] : memref<128x128xf32, #tpu.memory_space<vmem>>, vector<128x128xf32>
    %dot_general3A_265 = arith.constant dense<0.000000e+00> : vector<256x128xf32>
    %dot_general3A_266 = tpu.matmul %get3A_256, %get3A_264, %dot_general3A_265 {dimension_numbers = #tpu.dot_dimension_numbers<[1], [0], [0], [1], [0, 0, 1, 1], [], []>, transpose_lhs_hint = false} : vector<256x128xf32>, vector<128x128xf32>, vector<256x128xf32> -> vector<256x128xf32>
    %get3A_267 = arith.constant 0 : index
    %get3A_268 = arith.constant 0 : index
    %get3A_269 = vector.load %arg7[%get3A_267, %get3A_268] : memref<128x128xf32, #tpu.memory_space<vmem>>, vector<128x128xf32>
    %dot_general3A_270 = arith.constant dense<0.000000e+00> : vector<256x128xf32>
    %dot_general3A_271 = tpu.matmul %get3A_256, %get3A_269, %dot_general3A_270 {dimension_numbers = #tpu.dot_dimension_numbers<[1], [0], [0], [1], [0, 0, 1, 1], [], []>, transpose_lhs_hint = false} : vector<256x128xf32>, vector<128x128xf32>, vector<256x128xf32> -> vector<256x128xf32>
    %get3A_272 = arith.constant 0 : index
    %get3A_273 = arith.index_cast %multiple_of3A_239 : i32 to index
    %get3A_274 = arith.constant 0 : index
    %get3A_275 = vector.load %arg4[%get3A_272, %get3A_273, %get3A_274] : memref<1x2048x1xf32, #tpu.memory_space<vmem>>, vector<1x128x1xf32>
    %get3A_276 = vector.shape_cast %get3A_275 : vector<1x128x1xf32> to vector<128x1xf32>
    %get3A_277 = arith.constant 0 : index
    %get3A_278 = arith.index_cast %multiple_of3A_246 : i32 to index
    %get3A_279 = arith.constant 0 : index
    %get3A_280 = vector.load %arg4[%get3A_277, %get3A_278, %get3A_279] : memref<1x2048x1xf32, #tpu.memory_space<vmem>>, vector<1x256x1xf32>
    %get3A_281 = vector.shape_cast %get3A_280 : vector<1x256x1xf32> to vector<256x1xf32>
    %iota3A_282 = tpu.iota {dimensions = array<i32: 0>} : vector<256x256xi32>
    %iota3A_283 = tpu.iota {dimensions = array<i32: 1>} : vector<256x256xi32>
    %eq3A_284 = arith.cmpi eq, %iota3A_282, %iota3A_283 : vector<256x256xi32>
    %convert_element_type3A_285 = arith.extui %eq3A_284 : vector<256x256xi1> to vector<256x256xi32>
    %convert_element_type3A_286 = arith.sitofp %convert_element_type3A_285 : vector<256x256xi32> to vector<256x256xf32>
    %dot_general3A_287 = arith.constant dense<0.000000e+00> : vector<1x256xf32>
    %dot_general3A_288 = tpu.matmul %get3A_281, %convert_element_type3A_286, %dot_general3A_287 {dimension_numbers = #tpu.dot_dimension_numbers<[0], [0], [1], [1], [0, 1, 1, 1], [], []>, transpose_lhs_hint = false} : vector<256x1xf32>, vector<256x256xf32>, vector<1x256xf32> -> vector<1x256xf32>
    %eq3A_289 = vector.broadcast %get3A_276 : vector<128x1xf32> to vector<128x256xf32>
    %eq3A_290 = vector.broadcast %dot_general3A_288 : vector<1x256xf32> to vector<128x256xf32>
    %eq3A_291 = arith.cmpf oeq, %eq3A_289, %eq3A_290 : vector<128x256xf32>
    %jit3A_292 = arith.constant 0.000000e+00 : f32
    %jit3A_293 = arith.constant -1.000000e+30 : f32
    %broadcast_in_dim3A_294 = vector.broadcast %jit3A_292 : f32 to vector<128x256xf32>
    %broadcast_in_dim3A_295 = vector.broadcast %jit3A_293 : f32 to vector<128x256xf32>
    %select_n3A_296 = arith.select %eq3A_291, %broadcast_in_dim3A_294, %broadcast_in_dim3A_295 : vector<128x256xi1>, vector<128x256xf32>
    %convert_element_type3A_297 = arith.extui %eq3A_291 : vector<128x256xi1> to vector<128x256xi32>
    %convert_element_type3A_298 = arith.sitofp %convert_element_type3A_297 : vector<128x256xi32> to vector<128x256xf32>
    %reduce_sum3A_299 = arith.constant dense<0.000000e+00> : vector<128xf32>
    %reduce_sum3A_300 = vector.multi_reduction <add>, %convert_element_type3A_298, %reduce_sum3A_299 [1] : vector<128x256xf32> to vector<128xf32>
    %broadcast_in_dim3A_301 = vector.shape_cast %reduce_sum3A_300 : vector<128xf32> to vector<128x1xf32>
    %get3A_302 = arith.constant 0 : index
    %get3A_303 = arith.constant 0 : index
    %get3A_304 = memref.load %arg2[%get3A_302, %get3A_303] : memref<1x1xi32, #tpu.memory_space<smem>>
    %convert_element_type3A_305 = arith.sitofp %get3A_304 : i32 to f32
    %iota3A_306 = tpu.iota {dimensions = array<i32: 1>} : vector<128x128xi32>
    %jit3A_307 = arith.constant 16 : i32
    %div3A_308 = vector.broadcast %jit3A_307 : i32 to vector<128x128xi32>
    %div3A_309 = arith.divsi %iota3A_306, %div3A_308 : vector<128x128xi32>
    %sign3A_310 = arith.constant 0 : i32
    %sign3A_311 = vector.broadcast %sign3A_310 : i32 to vector<128x128xi32>
    %sign3A_312 = arith.cmpi sgt, %iota3A_306, %sign3A_311 : vector<128x128xi32>
    %sign3A_313 = arith.extui %sign3A_312 : vector<128x128xi1> to vector<128x128xi32>
    %sign3A_314 = arith.constant 0 : i32
    %sign3A_315 = vector.broadcast %sign3A_314 : i32 to vector<128x128xi32>
    %sign3A_316 = arith.cmpi slt, %iota3A_306, %sign3A_315 : vector<128x128xi32>
    %sign3A_317 = arith.extui %sign3A_316 : vector<128x128xi1> to vector<128x128xi32>
    %sign3A_318 = arith.subi %sign3A_313, %sign3A_317 : vector<128x128xi32>
    %sign3A_319 = arith.constant 0 : i32
    %sign3A_320 = arith.cmpi sgt, %jit3A_307, %sign3A_319 : i32
    %sign3A_321 = arith.extui %sign3A_320 : i1 to i32
    %sign3A_322 = arith.constant 0 : i32
    %sign3A_323 = arith.cmpi slt, %jit3A_307, %sign3A_322 : i32
    %sign3A_324 = arith.extui %sign3A_323 : i1 to i32
    %sign3A_325 = arith.subi %sign3A_321, %sign3A_324 : i32
    %ne3A_326 = vector.broadcast %sign3A_325 : i32 to vector<128x128xi32>
    %ne3A_327 = arith.cmpi ne, %sign3A_318, %ne3A_326 : vector<128x128xi32>
    %rem3A_328 = vector.broadcast %jit3A_307 : i32 to vector<128x128xi32>
    %rem3A_329 = arith.remsi %iota3A_306, %rem3A_328 : vector<128x128xi32>
    %ne3A_330 = arith.constant 0 : i32
    %ne3A_331 = vector.broadcast %ne3A_330 : i32 to vector<128x128xi32>
    %ne3A_332 = arith.cmpi ne, %rem3A_329, %ne3A_331 : vector<128x128xi32>
    %and3A_333 = arith.andi %ne3A_327, %ne3A_332 : vector<128x128xi1>
    %sub3A_334 = arith.constant 1 : i32
    %sub3A_335 = vector.broadcast %sub3A_334 : i32 to vector<128x128xi32>
    %sub3A_336 = arith.subi %div3A_309, %sub3A_335 : vector<128x128xi32>
    %select_n3A_337 = arith.select %and3A_333, %sub3A_336, %div3A_309 : vector<128x128xi1>, vector<128x128xi32>
    %eq3A_338 = arith.constant 0 : i32
    %eq3A_339 = vector.broadcast %eq3A_338 : i32 to vector<128x128xi32>
    %eq3A_340 = arith.cmpi eq, %select_n3A_337, %eq3A_339 : vector<128x128xi32>
    %jit3A_341 = arith.constant 0.000000e+00 : f32
    %broadcast_in_dim3A_342 = vector.broadcast %jit3A_341 : f32 to vector<128x128xf32>
    %select_n3A_343 = arith.select %eq3A_340, %dot_general3A_261, %broadcast_in_dim3A_342 : vector<128x128xi1>, vector<128x128xf32>
    %eq3A_344 = arith.constant 1 : i32
    %eq3A_345 = vector.broadcast %eq3A_344 : i32 to vector<128x128xi32>
    %eq3A_346 = arith.cmpi eq, %select_n3A_337, %eq3A_345 : vector<128x128xi32>
    %jit3A_347 = arith.constant 0.000000e+00 : f32
    %broadcast_in_dim3A_348 = vector.broadcast %jit3A_347 : f32 to vector<128x128xf32>
    %select_n3A_349 = arith.select %eq3A_346, %dot_general3A_261, %broadcast_in_dim3A_348 : vector<128x128xi1>, vector<128x128xf32>
    %eq3A_350 = arith.constant 2 : i32
    %eq3A_351 = vector.broadcast %eq3A_350 : i32 to vector<128x128xi32>
    %eq3A_352 = arith.cmpi eq, %select_n3A_337, %eq3A_351 : vector<128x128xi32>
    %jit3A_353 = arith.constant 0.000000e+00 : f32
    %broadcast_in_dim3A_354 = vector.broadcast %jit3A_353 : f32 to vector<128x128xf32>
    %select_n3A_355 = arith.select %eq3A_352, %dot_general3A_261, %broadcast_in_dim3A_354 : vector<128x128xi1>, vector<128x128xf32>
    %eq3A_356 = arith.constant 3 : i32
    %eq3A_357 = vector.broadcast %eq3A_356 : i32 to vector<128x128xi32>
    %eq3A_358 = arith.cmpi eq, %select_n3A_337, %eq3A_357 : vector<128x128xi32>
    %jit3A_359 = arith.constant 0.000000e+00 : f32
    %broadcast_in_dim3A_360 = vector.broadcast %jit3A_359 : f32 to vector<128x128xf32>
    %select_n3A_361 = arith.select %eq3A_358, %dot_general3A_261, %broadcast_in_dim3A_360 : vector<128x128xi1>, vector<128x128xf32>
    %eq3A_362 = arith.constant 4 : i32
    %eq3A_363 = vector.broadcast %eq3A_362 : i32 to vector<128x128xi32>
    %eq3A_364 = arith.cmpi eq, %select_n3A_337, %eq3A_363 : vector<128x128xi32>
    %jit3A_365 = arith.constant 0.000000e+00 : f32
    %broadcast_in_dim3A_366 = vector.broadcast %jit3A_365 : f32 to vector<128x128xf32>
    %select_n3A_367 = arith.select %eq3A_364, %dot_general3A_261, %broadcast_in_dim3A_366 : vector<128x128xi1>, vector<128x128xf32>
    %eq3A_368 = arith.constant 5 : i32
    %eq3A_369 = vector.broadcast %eq3A_368 : i32 to vector<128x128xi32>
    %eq3A_370 = arith.cmpi eq, %select_n3A_337, %eq3A_369 : vector<128x128xi32>
    %jit3A_371 = arith.constant 0.000000e+00 : f32
    %broadcast_in_dim3A_372 = vector.broadcast %jit3A_371 : f32 to vector<128x128xf32>
    %select_n3A_373 = arith.select %eq3A_370, %dot_general3A_261, %broadcast_in_dim3A_372 : vector<128x128xi1>, vector<128x128xf32>
    %eq3A_374 = arith.constant 6 : i32
    %eq3A_375 = vector.broadcast %eq3A_374 : i32 to vector<128x128xi32>
    %eq3A_376 = arith.cmpi eq, %select_n3A_337, %eq3A_375 : vector<128x128xi32>
    %jit3A_377 = arith.constant 0.000000e+00 : f32
    %broadcast_in_dim3A_378 = vector.broadcast %jit3A_377 : f32 to vector<128x128xf32>
    %select_n3A_379 = arith.select %eq3A_376, %dot_general3A_261, %broadcast_in_dim3A_378 : vector<128x128xi1>, vector<128x128xf32>
    %eq3A_380 = arith.constant 7 : i32
    %eq3A_381 = vector.broadcast %eq3A_380 : i32 to vector<128x128xi32>
    %eq3A_382 = arith.cmpi eq, %select_n3A_337, %eq3A_381 : vector<128x128xi32>
    %jit3A_383 = arith.constant 0.000000e+00 : f32
    %broadcast_in_dim3A_384 = vector.broadcast %jit3A_383 : f32 to vector<128x128xf32>
    %select_n3A_385 = arith.select %eq3A_382, %dot_general3A_261, %broadcast_in_dim3A_384 : vector<128x128xi1>, vector<128x128xf32>
    %concatenate3A_386 = tpu.concatenate %select_n3A_343, %select_n3A_349, %select_n3A_355, %select_n3A_361, %select_n3A_367, %select_n3A_373, %select_n3A_379, %select_n3A_385 in 0 : vector<128x128xf32>, vector<128x128xf32>, vector<128x128xf32>, vector<128x128xf32>, vector<128x128xf32>, vector<128x128xf32>, vector<128x128xf32>, vector<128x128xf32> -> vector<1024x128xf32>
    %dot_general3A_387 = arith.constant dense<0.000000e+00> : vector<1024x256xf32>
    %dot_general3A_388 = tpu.matmul %concatenate3A_386, %dot_general3A_266, %dot_general3A_387 {dimension_numbers = #tpu.dot_dimension_numbers<[1], [1], [0], [0], [0, 0, 1, 0], [], []>, transpose_lhs_hint = false} : vector<1024x128xf32>, vector<256x128xf32>, vector<1024x256xf32> -> vector<1024x256xf32>
    %concatenate3A_389 = tpu.concatenate %select_n3A_296, %select_n3A_296, %select_n3A_296, %select_n3A_296, %select_n3A_296, %select_n3A_296, %select_n3A_296, %select_n3A_296 in 0 : vector<128x256xf32>, vector<128x256xf32>, vector<128x256xf32>, vector<128x256xf32>, vector<128x256xf32>, vector<128x256xf32>, vector<128x256xf32>, vector<128x256xf32> -> vector<1024x256xf32>
    %add3A_390 = arith.addf %dot_general3A_388, %concatenate3A_389 : vector<1024x256xf32>
    %exp3A_391 = math.exp %add3A_390 : vector<1024x256xf32>
    %concatenate3A_392 = tpu.concatenate %broadcast_in_dim3A_301, %broadcast_in_dim3A_301, %broadcast_in_dim3A_301, %broadcast_in_dim3A_301, %broadcast_in_dim3A_301, %broadcast_in_dim3A_301, %broadcast_in_dim3A_301, %broadcast_in_dim3A_301 in 0 : vector<128x1xf32>, vector<128x1xf32>, vector<128x1xf32>, vector<128x1xf32>, vector<128x1xf32>, vector<128x1xf32>, vector<128x1xf32>, vector<128x1xf32> -> vector<1024x1xf32>
    %reduce_sum3A_393 = arith.constant dense<0.000000e+00> : vector<1024xf32>
    %reduce_sum3A_394 = vector.multi_reduction <add>, %exp3A_391, %reduce_sum3A_393 [1] : vector<1024x256xf32> to vector<1024xf32>
    %broadcast_in_dim3A_395 = vector.shape_cast %reduce_sum3A_394 : vector<1024xf32> to vector<1024x1xf32>
    %sub3A_396 = vector.broadcast %convert_element_type3A_305 : f32 to vector<1024x1xf32>
    %sub3A_397 = arith.subf %sub3A_396, %concatenate3A_392 : vector<1024x1xf32>
    %add3A_398 = arith.addf %broadcast_in_dim3A_395, %sub3A_397 : vector<1024x1xf32>
    %div3A_399 = arith.constant 1.000000e+00 : f32
    %div3A_400 = vector.broadcast %div3A_399 : f32 to vector<1024x1xf32>
    %div3A_401 = arith.divf %div3A_400, %add3A_398 : vector<1024x1xf32>
    %dot_general3A_402 = arith.constant dense<0.000000e+00> : vector<1024x128xf32>
    %dot_general3A_403 = tpu.matmul %exp3A_391, %dot_general3A_271, %dot_general3A_402 {dimension_numbers = #tpu.dot_dimension_numbers<[1], [0], [0], [1], [0, 0, 1, 1], [], []>, transpose_lhs_hint = false} : vector<1024x256xf32>, vector<256x128xf32>, vector<1024x128xf32> -> vector<1024x128xf32>
    %broadcast_in_dim3A_404 = arith.constant 0.000000e+00 : f32
    %broadcast_in_dim3A_405 = vector.broadcast %broadcast_in_dim3A_404 : f32 to vector<128x128xf32>
    %slice3A_406 = vector.extract_strided_slice %dot_general3A_403 {offsets = [0, 0], sizes = [128, 128], strides = [1, 1]} : vector<1024x128xf32> to vector<128x128xf32>
    %slice3A_407 = vector.extract_strided_slice %div3A_401 {offsets = [0, 0], sizes = [128, 1], strides = [1, 1]} : vector<1024x1xf32> to vector<128x1xf32>
    %mul3A_408 = vector.broadcast %slice3A_407 : vector<128x1xf32> to vector<128x128xf32>
    %mul3A_409 = arith.mulf %slice3A_406, %mul3A_408 : vector<128x128xf32>
    %eq3A_410 = arith.constant 0 : i32
    %eq3A_411 = vector.broadcast %eq3A_410 : i32 to vector<128x128xi32>
    %eq3A_412 = arith.cmpi eq, %select_n3A_337, %eq3A_411 : vector<128x128xi32>
    %jit3A_413 = arith.constant 0.000000e+00 : f32
    %broadcast_in_dim3A_414 = vector.broadcast %jit3A_413 : f32 to vector<128x128xf32>
    %select_n3A_415 = arith.select %eq3A_412, %mul3A_409, %broadcast_in_dim3A_414 : vector<128x128xi1>, vector<128x128xf32>
    %add3A_416 = arith.addf %broadcast_in_dim3A_405, %select_n3A_415 : vector<128x128xf32>
    %slice3A_417 = vector.extract_strided_slice %dot_general3A_403 {offsets = [128, 0], sizes = [128, 128], strides = [1, 1]} : vector<1024x128xf32> to vector<128x128xf32>
    %slice3A_418 = vector.extract_strided_slice %div3A_401 {offsets = [128, 0], sizes = [128, 1], strides = [1, 1]} : vector<1024x1xf32> to vector<128x1xf32>
    %mul3A_419 = vector.broadcast %slice3A_418 : vector<128x1xf32> to vector<128x128xf32>
    %mul3A_420 = arith.mulf %slice3A_417, %mul3A_419 : vector<128x128xf32>
    %eq3A_421 = arith.constant 1 : i32
    %eq3A_422 = vector.broadcast %eq3A_421 : i32 to vector<128x128xi32>
    %eq3A_423 = arith.cmpi eq, %select_n3A_337, %eq3A_422 : vector<128x128xi32>
    %jit3A_424 = arith.constant 0.000000e+00 : f32
    %broadcast_in_dim3A_425 = vector.broadcast %jit3A_424 : f32 to vector<128x128xf32>
    %select_n3A_426 = arith.select %eq3A_423, %mul3A_420, %broadcast_in_dim3A_425 : vector<128x128xi1>, vector<128x128xf32>
    %add3A_427 = arith.addf %add3A_416, %select_n3A_426 : vector<128x128xf32>
    %slice3A_428 = vector.extract_strided_slice %dot_general3A_403 {offsets = [256, 0], sizes = [128, 128], strides = [1, 1]} : vector<1024x128xf32> to vector<128x128xf32>
    %slice3A_429 = vector.extract_strided_slice %div3A_401 {offsets = [256, 0], sizes = [128, 1], strides = [1, 1]} : vector<1024x1xf32> to vector<128x1xf32>
    %mul3A_430 = vector.broadcast %slice3A_429 : vector<128x1xf32> to vector<128x128xf32>
    %mul3A_431 = arith.mulf %slice3A_428, %mul3A_430 : vector<128x128xf32>
    %eq3A_432 = arith.constant 2 : i32
    %eq3A_433 = vector.broadcast %eq3A_432 : i32 to vector<128x128xi32>
    %eq3A_434 = arith.cmpi eq, %select_n3A_337, %eq3A_433 : vector<128x128xi32>
    %jit3A_435 = arith.constant 0.000000e+00 : f32
    %broadcast_in_dim3A_436 = vector.broadcast %jit3A_435 : f32 to vector<128x128xf32>
    %select_n3A_437 = arith.select %eq3A_434, %mul3A_431, %broadcast_in_dim3A_436 : vector<128x128xi1>, vector<128x128xf32>
    %add3A_438 = arith.addf %add3A_427, %select_n3A_437 : vector<128x128xf32>
    %slice3A_439 = vector.extract_strided_slice %dot_general3A_403 {offsets = [384, 0], sizes = [128, 128], strides = [1, 1]} : vector<1024x128xf32> to vector<128x128xf32>
    %slice3A_440 = vector.extract_strided_slice %div3A_401 {offsets = [384, 0], sizes = [128, 1], strides = [1, 1]} : vector<1024x1xf32> to vector<128x1xf32>
    %mul3A_441 = vector.broadcast %slice3A_440 : vector<128x1xf32> to vector<128x128xf32>
    %mul3A_442 = arith.mulf %slice3A_439, %mul3A_441 : vector<128x128xf32>
    %eq3A_443 = arith.constant 3 : i32
    %eq3A_444 = vector.broadcast %eq3A_443 : i32 to vector<128x128xi32>
    %eq3A_445 = arith.cmpi eq, %select_n3A_337, %eq3A_444 : vector<128x128xi32>
    %jit3A_446 = arith.constant 0.000000e+00 : f32
    %broadcast_in_dim3A_447 = vector.broadcast %jit3A_446 : f32 to vector<128x128xf32>
    %select_n3A_448 = arith.select %eq3A_445, %mul3A_442, %broadcast_in_dim3A_447 : vector<128x128xi1>, vector<128x128xf32>
    %add3A_449 = arith.addf %add3A_438, %select_n3A_448 : vector<128x128xf32>
    %slice3A_450 = vector.extract_strided_slice %dot_general3A_403 {offsets = [512, 0], sizes = [128, 128], strides = [1, 1]} : vector<1024x128xf32> to vector<128x128xf32>
    %slice3A_451 = vector.extract_strided_slice %div3A_401 {offsets = [512, 0], sizes = [128, 1], strides = [1, 1]} : vector<1024x1xf32> to vector<128x1xf32>
    %mul3A_452 = vector.broadcast %slice3A_451 : vector<128x1xf32> to vector<128x128xf32>
    %mul3A_453 = arith.mulf %slice3A_450, %mul3A_452 : vector<128x128xf32>
    %eq3A_454 = arith.constant 4 : i32
    %eq3A_455 = vector.broadcast %eq3A_454 : i32 to vector<128x128xi32>
    %eq3A_456 = arith.cmpi eq, %select_n3A_337, %eq3A_455 : vector<128x128xi32>
    %jit3A_457 = arith.constant 0.000000e+00 : f32
    %broadcast_in_dim3A_458 = vector.broadcast %jit3A_457 : f32 to vector<128x128xf32>
    %select_n3A_459 = arith.select %eq3A_456, %mul3A_453, %broadcast_in_dim3A_458 : vector<128x128xi1>, vector<128x128xf32>
    %add3A_460 = arith.addf %add3A_449, %select_n3A_459 : vector<128x128xf32>
    %slice3A_461 = vector.extract_strided_slice %dot_general3A_403 {offsets = [640, 0], sizes = [128, 128], strides = [1, 1]} : vector<1024x128xf32> to vector<128x128xf32>
    %slice3A_462 = vector.extract_strided_slice %div3A_401 {offsets = [640, 0], sizes = [128, 1], strides = [1, 1]} : vector<1024x1xf32> to vector<128x1xf32>
    %mul3A_463 = vector.broadcast %slice3A_462 : vector<128x1xf32> to vector<128x128xf32>
    %mul3A_464 = arith.mulf %slice3A_461, %mul3A_463 : vector<128x128xf32>
    %eq3A_465 = arith.constant 5 : i32
    %eq3A_466 = vector.broadcast %eq3A_465 : i32 to vector<128x128xi32>
    %eq3A_467 = arith.cmpi eq, %select_n3A_337, %eq3A_466 : vector<128x128xi32>
    %jit3A_468 = arith.constant 0.000000e+00 : f32
    %broadcast_in_dim3A_469 = vector.broadcast %jit3A_468 : f32 to vector<128x128xf32>
    %select_n3A_470 = arith.select %eq3A_467, %mul3A_464, %broadcast_in_dim3A_469 : vector<128x128xi1>, vector<128x128xf32>
    %add3A_471 = arith.addf %add3A_460, %select_n3A_470 : vector<128x128xf32>
    %slice3A_472 = vector.extract_strided_slice %dot_general3A_403 {offsets = [768, 0], sizes = [128, 128], strides = [1, 1]} : vector<1024x128xf32> to vector<128x128xf32>
    %slice3A_473 = vector.extract_strided_slice %div3A_401 {offsets = [768, 0], sizes = [128, 1], strides = [1, 1]} : vector<1024x1xf32> to vector<128x1xf32>
    %mul3A_474 = vector.broadcast %slice3A_473 : vector<128x1xf32> to vector<128x128xf32>
    %mul3A_475 = arith.mulf %slice3A_472, %mul3A_474 : vector<128x128xf32>
    %eq3A_476 = arith.constant 6 : i32
    %eq3A_477 = vector.broadcast %eq3A_476 : i32 to vector<128x128xi32>
    %eq3A_478 = arith.cmpi eq, %select_n3A_337, %eq3A_477 : vector<128x128xi32>
    %jit3A_479 = arith.constant 0.000000e+00 : f32
    %broadcast_in_dim3A_480 = vector.broadcast %jit3A_479 : f32 to vector<128x128xf32>
    %select_n3A_481 = arith.select %eq3A_478, %mul3A_475, %broadcast_in_dim3A_480 : vector<128x128xi1>, vector<128x128xf32>
    %add3A_482 = arith.addf %add3A_471, %select_n3A_481 : vector<128x128xf32>
    %slice3A_483 = vector.extract_strided_slice %dot_general3A_403 {offsets = [896, 0], sizes = [128, 128], strides = [1, 1]} : vector<1024x128xf32> to vector<128x128xf32>
    %slice3A_484 = vector.extract_strided_slice %div3A_401 {offsets = [896, 0], sizes = [128, 1], strides = [1, 1]} : vector<1024x1xf32> to vector<128x1xf32>
    %mul3A_485 = vector.broadcast %slice3A_484 : vector<128x1xf32> to vector<128x128xf32>
    %mul3A_486 = arith.mulf %slice3A_483, %mul3A_485 : vector<128x128xf32>
    %eq3A_487 = arith.constant 7 : i32
    %eq3A_488 = vector.broadcast %eq3A_487 : i32 to vector<128x128xi32>
    %eq3A_489 = arith.cmpi eq, %select_n3A_337, %eq3A_488 : vector<128x128xi32>
    %jit3A_490 = arith.constant 0.000000e+00 : f32
    %broadcast_in_dim3A_491 = vector.broadcast %jit3A_490 : f32 to vector<128x128xf32>
    %select_n3A_492 = arith.select %eq3A_489, %mul3A_486, %broadcast_in_dim3A_491 : vector<128x128xi1>, vector<128x128xf32>
    %add3A_493 = arith.addf %add3A_482, %select_n3A_492 : vector<128x128xf32>
    %concatenate3A_494 = tpu.concatenate %add3A_236, %add3A_493 in 0 : vector<128x128xf32>, vector<128x128xf32> -> vector<256x128xf32>
    %get3A_495 = arith.constant 0 : index
    %get3A_496 = arith.constant 0 : index
    %get3A_497 = vector.load %arg8[%get3A_495, %get3A_496] : memref<128x128xf32, #tpu.memory_space<vmem>>, vector<128x128xf32>
    %dot_general3A_498 = arith.constant dense<0.000000e+00> : vector<256x128xf32>
    %dot_general3A_499 = tpu.matmul %concatenate3A_494, %get3A_497, %dot_general3A_498 {dimension_numbers = #tpu.dot_dimension_numbers<[1], [0], [0], [1], [0, 0, 1, 1], [], []>, transpose_lhs_hint = false} : vector<256x128xf32>, vector<128x128xf32>, vector<256x128xf32> -> vector<256x128xf32>
    %swap3A = arith.constant 0 : index
    %swap3A_500 = arith.constant 0 : index
    %swap3A_501 = arith.constant 0 : index
    %swap3A_502 = vector.load %arg9[%swap3A, %swap3A_500, %swap3A_501] : memref<1x256x128xf32, #tpu.memory_space<vmem>>, vector<1x256x128xf32>
    %swap3A_503 = vector.shape_cast %swap3A_502 : vector<1x256x128xf32> to vector<256x128xf32>
    %swap3A_504 = vector.shape_cast %dot_general3A_499 : vector<256x128xf32> to vector<1x256x128xf32>
    tpu.vector_store %arg9[%swap3A, %swap3A_500, %swap3A_501], %swap3A_504 {strides = array<i32>} : memref<1x256x128xf32, #tpu.memory_space<vmem>>, vector<1x256x128xf32>,
    return
  }
  func.func @transform_0(%arg0: i32, %arg1: i32) -> (i32, i32) {
    %c0_i32 = arith.constant 0 : i32
    %c0_i32_0 = arith.constant 0 : i32
    %c0_i32_1 = arith.constant 0 : i32
    return %c0_i32, %c0_i32_0 : i32, i32
  }
  func.func @transform_1(%arg0: i32, %arg1: i32) -> (i32, i32, i32) {
    %c0_i32 = arith.constant 0 : i32
    %c0_i32_0 = arith.constant 0 : i32
    %c0_i32_1 = arith.constant 0 : i32
    return %arg0, %c0_i32, %c0_i32_0 : i32, i32, i32
  }
  func.func @transform_2(%arg0: i32, %arg1: i32) -> (i32, i32, i32) {
    %c0_i32 = arith.constant 0 : i32
    %c0_i32_0 = arith.constant 0 : i32
    %c0_i32_1 = arith.constant 0 : i32
    return %arg0, %c0_i32, %c0_i32_0 : i32, i32, i32
  }
  func.func @transform_3(%arg0: i32, %arg1: i32) -> (i32, i32) {
    %c0_i32 = arith.constant 0 : i32
    %c0_i32_0 = arith.constant 0 : i32
    %c0_i32_1 = arith.constant 0 : i32
    return %c0_i32, %c0_i32_0 : i32, i32
  }
  func.func @transform_4(%arg0: i32, %arg1: i32) -> (i32, i32) {
    %c0_i32 = arith.constant 0 : i32
    %c0_i32_0 = arith.constant 0 : i32
    %c0_i32_1 = arith.constant 0 : i32
    return %c0_i32, %c0_i32_0 : i32, i32
  }
  func.func @transform_5(%arg0: i32, %arg1: i32) -> (i32, i32) {
    %c0_i32 = arith.constant 0 : i32
    %c0_i32_0 = arith.constant 0 : i32
    %c0_i32_1 = arith.constant 0 : i32
    return %c0_i32, %c0_i32_0 : i32, i32
  }
  func.func @transform_6(%arg0: i32, %arg1: i32) -> (i32, i32) {
    %c0_i32 = arith.constant 0 : i32
    %c0_i32_0 = arith.constant 0 : i32
    %c0_i32_1 = arith.constant 0 : i32
    return %c0_i32, %c0_i32_0 : i32, i32
  }
  func.func @transform_7(%arg0: i32, %arg1: i32) -> (i32, i32, i32) {
    %c0_i32 = arith.constant 0 : i32
    %c0_i32_0 = arith.constant 0 : i32
    return %arg0, %arg1, %c0_i32 : i32, i32, i32
  }
}

</mosaic_0001>

<sc_bundles>
// kernel: gather_offload_async_start
scs
__scs_entry_jumppad:
0x0: {  	(pc) =	sbr.rel $0x88, $3  }
0x1: {  	(tag) =	ssettag $0x0;
	lr =	simm.s32 $0x1  }
0x2: {  	[smem:$0x3F9B] =	sst lr;
	_ =	strace $0xD0000000  }
0x3: {  	_ = 	snop  }
0x4: {  	_ = 	snop  }
0x5: {  	_ = 	snop  }
0x6: {  	_ = 	snop  }
0x7: {  	_ = 	snop  }
__scs_overlays_trampoline_lowered:
0x8: {  	[smem:$0x3FAA] =	sst s0  }
0x9: {  	[smem:$0x3FAB] =	sst s1  }
0xa: {  	[smem:$0x3FAC] =	sst s2  }
0xb: {  	[smem:$0x3FAD] =	sst s3  }
0xc: {  	[smem:$0x3FAE] =	sst s4  }
0xd: {  	[smem:$0x3FAF] =	sst s5  }
0xe: {  	[smem:$0x3FB0] =	sst s6  }
0xf: {  	[smem:$0x3FB1] =	sst s7  }
0x10: {  	[smem:$0x3FB2] =	sst s8  }
0x11: {  	[smem:$0x3FB3] =	sst s9;
	s0 =	simm.s32 @!p0 $0x0  }
0x12: {  	s1 =	sld [smem:$0x3F99];
	s0 =	simm.s32 @p0 $0x1  }
0x13: {  	[smem:$0x3FB4] =	sst s0;
	s0 =	simm.s32 @!p1 $0x0  }
0x14: {  	s2 =	sld [smem:$0x3F98];
	s0 =	simm.s32 @p1 $0x1  }
0x15: {  	[smem:$0x3FB5] =	sst s0;
	s0 =	simm.s32 @!p2 $0x0  }
0x16: {  	s3 =	sld [smem:$0x3FDB];
	s0 =	simm.s32 @p2 $0x1  }
0x17: {  	s4 =	simm.s32 $0x1BF5;
	[smem:$0x3FB7] =	sst s0  }
0x18: {  	s0 =	sld [smem:$0x3F9A];
	_ =	swait.ge [sflag:s4], $0x0  }
0x19: {  	s7 =	sld [smem:$0x3F9B]  }
0x1a: {  	s8 =	sadd.s32 $0xFFFFE003, lr  }
0x1b: {  	s9 =	sadd.s32 $0xFFFFFEF7, lr;
	s5 =	simm.s32 $0xFFFFFFFF;
	p2 =	slt.u32 s8, $0xFFFFF086  }
0x1c: {  	p1 =	slt.u32 s9, $0xF7A;
	s5 =	simm.s32 @!p2 $0x0  }
0x1d: {  	s5 =	simm.s32 @p1 $0x1;
	p0 =	seq.s32 s7, s2  }
0x1e: {  	s7 =	smul.u32 @!p0 $0xF7A, s2;
	p2 =	seq.s32 @!p0 s5, $0x0  }
0x1f: {  	s9 =	smul.u32 $0xF7A, s1;
	s8 =	simm.s32 @!p0 $0x1BF5;
	p2 =	por !p2, p0  }
0x20: {  	[sflag:s8] =	ssyncset.s32 @!p0 $0xFFFFF086;
	s6 =	sadd.s32 @!p0 s3, s7;
	s7 =	simm.s32 @!p0 $0x108  }
0x21: {  	s3 =	sadd.s32 s3, s9;
	s6 =	sadd.s32 @!p0 $0x88, s6;
	s7 =	simm.s32 @p2 $0x1082  }
0x22: {  	[simem:s7], [sflag:s8] =	dma.local @!p0 [hbm:s6], $0xF7A  }
0x23: {  	s9 =	sor.u32 $0xD0000000, s2;
	s6 =	simm.s32 $0x108;
	_ =	swait.ge @!p0 [sflag:s8], $0x0  }
0x24: {  	s3 =	sadd.s32 $0x88, s3;
	s6 =	simm.s32 @!p1 $0x1082;
	[sflag:s4] =	ssyncset.s32 $0xFFFFF086  }
0x25: {  	[simem:s6], [sflag:s4] =	dma.local [hbm:s3], $0xF7A  }
0x26: {  	[smem:$0x3F9B] =	sst s1;
	(tag) =	ssettag s2;
	_ =	strace s9  }
0x27: {  	s1 =	sld [smem:$0x3FAB]  }
0x28: {  	s2 =	sld [smem:$0x3FAC]  }
0x29: {  	s4 =	sld [smem:$0x3FAE]  }
0x2a: {  	p0 =	seq.s32 s5, $0x0;
	s5 =	sld [smem:$0x3FAF]  }
0x2b: {  	s6 =	sld [smem:$0x3FB0]  }
0x2c: {  	s7 =	sld [smem:$0x3FB1]  }
0x2d: {  	s3 =	simm.s32 $0x108;
	s8 =	sld [smem:$0x3FB2]  }
0x2e: {  	s3 =	simm.s32 @!p0 $0x1082;
	s9 =	sld [smem:$0x3FB3]  }
0x2f: {  	lr =	sadd.s32 s0, s3;
	s0 =	sld [smem:$0x3FAA]  }
0x30: {  	s3 =	sld [smem:$0x3FAD]  }
0x31: {  	[smem:$0x3FB6] =	sst s10  }
0x32: {  	s10 =	sld [smem:$0x3FB4];
	_ =	sdelay $0x3  }
0x33: {  	p0 =	seq.s32 s10, $0x1;
	s10 =	sld [smem:$0x3FB6];
	_ =	sdelay $0x3  }
0x34: {  	[smem:$0x3FB6] =	sst s10  }
0x35: {  	s10 =	sld [smem:$0x3FB5];
	_ =	sdelay $0x3  }
0x36: {  	p1 =	seq.s32 s10, $0x1;
	s10 =	sld [smem:$0x3FB6];
	_ =	sdelay $0x3  }
0x37: {  	[smem:$0x3FB6] =	sst s10  }
0x38: {  	s10 =	sld [smem:$0x3FB7]  }
0x39: {  	_ = 	snop;
	(pc) =	sbr.ind lr, $3  }
0x3a: {  	_ = 	snop  }
0x3b: {  	_ = 	snop  }
0x3c: {  	p2 =	seq.s32 s10, $0x1;
	s10 =	sld [smem:$0x3FB6]  }
0x3d: {  	_ =	shalt  }
0x3e: {  	_ =	shalt  }
0x3f: {  	_ =	shalt  }
0x40: {  	_ =	shalt  }
0x41: {  	_ =	shalt  }
0x42: {  	_ =	shalt  }
0x43: {  	_ =	shalt  }
0x44: {  	_ =	shalt  }
0x45: {  	_ =	shalt  }
0x46: {  	_ =	shalt  }
0x47: {  	_ =	shalt  }
0x48: {  	_ =	shalt  }
0x49: {  	_ =	shalt  }
0x4a: {  	_ =	shalt  }
0x4b: {  	_ =	shalt  }
0x4c: {  	_ =	shalt  }
0x4d: {  	_ =	shalt  }
0x4e: {  	_ =	shalt  }
0x4f: {  	_ =	shalt  }
0x50: {  	_ =	shalt  }
0x51: {  	_ =	shalt  }
0x52: {  	_ =	shalt  }
0x53: {  	_ =	shalt  }
0x54: {  	_ =	shalt  }
0x55: {  	_ =	shalt  }
0x56: {  	_ =	shalt  }
0x57: {  	_ =	shalt  }
0x58: {  	_ =	shalt  }
0x59: {  	_ =	shalt  }
0x5a: {  	_ =	shalt  }
0x5b: {  	_ =	shalt  }
0x5c: {  	_ =	shalt  }
0x5d: {  	_ =	shalt  }
0x5e: {  	_ =	shalt  }
0x5f: {  	_ =	shalt  }
0x60: {  	_ =	shalt  }
0x61: {  	_ =	shalt  }
0x62: {  	_ =	shalt  }
0x63: {  	_ =	shalt  }
0x64: {  	_ =	shalt  }
0x65: {  	_ =	shalt  }
0x66: {  	_ =	shalt  }
0x67: {  	_ =	shalt  }
0x68: {  	_ =	shalt  }
0x69: {  	_ =	shalt  }
0x6a: {  	_ =	shalt  }
0x6b: {  	_ =	shalt  }
0x6c: {  	_ =	shalt  }
0x6d: {  	_ =	shalt  }
0x6e: {  	_ =	shalt  }
0x6f: {  	_ =	shalt  }
0x70: {  	_ =	shalt  }
0x71: {  	_ =	shalt  }
0x72: {  	_ =	shalt  }
0x73: {  	_ =	shalt  }
0x74: {  	_ =	shalt  }
0x75: {  	_ =	shalt  }
0x76: {  	_ =	shalt  }
0x77: {  	_ =	shalt  }
0x78: {  	_ =	shalt  }
0x79: {  	_ =	shalt  }
0x7a: {  	_ =	shalt  }
0x7b: {  	_ =	shalt  }
0x7c: {  	_ =	shalt  }
0x7d: {  	_ =	shalt  }
0x7e: {  	_ =	shalt  }
0x7f: {  	_ =	shalt  }
0x80: {  	_ =	shalt  }
0x81: {  	_ =	shalt  }
0x82: {  	_ =	shalt  }
0x83: {  	_ =	shalt  }
0x84: {  	_ =	shalt  }
0x85: {  	_ =	shalt  }
0x86: {  	_ =	shalt  }
0x87: {  	_ =	shalt  }
.Lfunc_end0:
.L_simem_size_0:
called_computation_lowered:
.L_overlay_start_0:
0x88: {  	s2 =	sld [smem:$0x3FD9]  }
0x89: {  	s3 =	sld [smem:$0x3FFE];
	_ =	sdelay $0x1  }
0x8a: {  	s1 =	srdreg.scid  }
0x8b: {  	s0 =	sand.u32 $0x1, s1  }
0x8c: {  	s17 =	sshll.u32 s0, $0xA;
	s2 =	sadd.s32 s3, s2  }
0x8d: {  	s2 =	sadd.s32 s2, s17  }
0x8e: {  	[smem:$0x3FC2] =	sst s2  }
0x8f: {  	_ = 	snop  }
0x90: {  	s2 =	sld [smem:$0x3FC8]  }
0x91: {  	s18 =	sld [smem:$0x3FD0];
	(tm) =	ssettm $0x1  }
0x92: {  	s4 =	sld [smem:$0x3FFB];
	_ =	sdelay $0x3  }
0x93: {  	_ =	strace s4  }
0x94: {  	s4 =	sld [smem:$0x3FFC];
	_ =	sdelay $0x3  }
0x95: {  	_ =	strace s4  }
0x96: {  	s4 =	sld [smem:$0x3FFD];
	_ =	sdelay $0x3  }
0x97: {  	_ =	strace s4  }
0x98: {  	_ =	strace $0x8FFFFFFF  }
0x99: {  	s19 =	sld [smem:$0x3FDB];
	_ =	sdelay $0x1  }
0x9a: {  	s5 =	simm.s32 $_scs_section_size  }
0x9b: {  	s6 =	simm.s32 $_size__tile_overlayer_lowered;
	s7 =	simm.s32 $_tile_overlayer_lowered  }
0x9c: {  	s22 =	simm.s32 $0x1BFF;
	s21 =	sshll.u32 s7, $0x1;
	s4 =	sadd.s32 s5, s19  }
0x9d: {  	s8 =	simm.s32 $0x0;
	s20 =	sshll.u32 s6, $0x1;
	s6 =	sadd.s32 s21, s4  }
0x9e: {  	[timem:s8], [sflag:s22] =	dma.local [hbm:s6], s20  }
0x9f: {  	_ =	swait.ge [sflag:s22], s20  }
0xa0: {  	s5 =	ssub.s32 $0x0, s20;
	[sflag:s22] =	ssyncset.done $0x0  }
0xa1: {  	[sflag:s22] =	ssyncadd.s32 s5;
	_ =	sdelay $0x1  }
0xa2: {  	s23 =	simm.s32 $0x1B8B  }
0xa3: {  	_ =	swait.ge [sflag:s23], $0x1  }
0xa4: {  	[sflag:s23] =	ssyncset.done $0x0  }
0xa5: {  	s25 =	simm.s32 $0x1B8E;
	s24 =	sld [smem:$0x3FFE];
	[sflag:s23] =	ssyncadd.s32 $0xFFFFFFFF  }
0xa6: {  	s26 =	simm.s32 $execute0_lowered;
	[smem:$0x3FD2] =	sst s25  }
0xa7: {  	s6 =	sshll.u32 s26, $0x1;
	_ =	strace $0x80000046;
	[dreg:$0x1] =	wrdreg $0xFFFFFFFF  }
0xa8: {  	s28 =	simm.s32 $_size_execute0_lowered;
	s4 =	sadd.s32 s4, s6;
	[dreg:$0x0] =	wrdreg $0x0  }
0xa9: {  	s6 =	sshll.u32 s28, $0x1;
	[dreg:$0x2] =	wrdreg s4  }
0xaa: {  	[dreg:$0x3] =	wrdreg s6  }
0xab: {  	[dreg:$0x4] =	wrdreg $0xC0  }
0xac: {  	_ =	task [dreg:s8], $0x5FFFF  }
0xad: {  	[dreg:$0x1] =	wrdreg $0xFFFFFFFF  }
0xae: {  	[dreg:$0x0] =	wrdreg $0x60  }
0xaf: {  	[dreg:$0x2] =	wrdreg s2  }
0xb0: {  	[dreg:$0x3] =	wrdreg s18  }
0xb1: {  	[dreg:$0x4] =	wrdreg s24  }
0xb2: {  	[dreg:$0x5] =	wrdreg $0x9  }
0xb3: {  	_ =	task.clear_ibuf [dreg:s8], $0x6FFFF;
	_ =	strace $0x90000046  }
0xb4: {  	s29 =	simm.s32 $0x9;
	_ =	strace $0x80000048  }
0xb5: {  	_ =	swait.ge [sflag:s29], $0x1  }
0xb6: {  	[sflag:s29] =	ssyncadd.s32 $0xFFFFFFFF  }
0xb7: {  	_ =	strace $0x90000048  }
0xb8: {  	_ =	sfence  }
0xb9: {  	s30 =	sld [smem:$0x0];
	_ =	sdelay $0x2  }
0xba: {  	s31 =	sshll.u32 s1, $0xD;
	s1 =	sshrl.u32 s1, $0x2  }
0xbb: {  	s3 =	sand.u32 $0x4000, s31;
	s1 =	sadd.s32 s1, s30  }
0xbc: {  	s0 =	sor.u32 s3, s0;
	s1 =	sshll.u32 s1, $0x11  }
0xbd: {  	s0 =	sor.u32 s1, s0  }
0xbe: {  	s0 =	sadd.s32 $0x8F2B, s0  }
0xbf: {  	[sflag:s0] =	ssyncadd.remote.s32 $0x1  }
0xc0: {  	_ =	sfence.sel $0xFFFF  }
0xc1: {  	[dreg:$0x0] =	wrdreg $0xFFFFFFFF;
	(pc) =	sbr.abs _section_cstart, $3  }
0xc2: {  	[dreg:$0x1] =	wrdreg $0xFFFFFFFF  }
0xc3: {  	_ =	task.clear_ibuf [dreg:s8], $0x2FFFF;
	_ =	strace $0x9FFFFFFF  }
0xc4: {  	(tm) =	ssettm $0x7FFFFFFF  }
0xc5: {  	_ =	shalt  }
tec
execute0_lowered:
.L_overlay_start_1:
0x0: {  	(tag) =	ssettag $0x1  }
0x1: {  	s1 =	srdreg.scid;
	s2 =	rddreg [dreg:$0x0]  }
0x2: {  	s0 =	stileid.u32;
	s3 =	rddreg [dreg:$0x1]  }
0x3: {  	s4 =	rddreg [dreg:$0x2];
	s6 =	simm.s32 $0x1;
	s1 =	sshll.u32 s1, $0x8  }
0x4: {  	s9 =	simm.s32 $0x1;
	s5 =	sshll.u32 s0, $0x9;
	s1 =	sand.u32 $0x100, s1  }
0x5: {  	s10 =	simm.s32 $0x3;
	s13 =	simm.s32 $0x0;
	s5 =	sor.u32 s5, s1  }
0x6: {  	s12 =	simm.s32 $0x0;
	s1 =	rddreg [dreg:$0x3];
	s8 =	ssub.s32 $0x4000, s5  }
.Ltmp0:
0x7: {  	_ =	strace $0x80000047;
	s7 =	sand.u32 $0x1F00, s8;
	(pc) =	sbr.rel .LBB2_1-.Ltmp0, $4  }
0x8: {  	[sflag:s6] =	ssyncpa.u1 $0x0;
	s11 =	smov.u32 s5;
	p0 =	sne.s32 s7, $0x0  }
0x9: {  	s8 =	sshrl.u32 s8, $0xD;
	s7 =	simm.s32 $0x2;
	s9 =	simm.s32 @!p0 $0x0  }
0xa: {  	[sflag:s7] =	ssyncpa.u1 $0x0;
	p0 =	por $0x0, $0x0;
	s8 =	sadd.s32 s9, s8  }
0xb: {  	vm0 =	vmmov $0xffff;
	[sflag:s10] =	ssyncpa.u1 $0x0;
	s10 =	simm.s32 $0x0;
	s9 =	sadd.s32 $0x1, s8  }
.LBB2_4:
0xc: {  	v5 =	vld.msk [tilespmem:s18+$0x0 ss:$0x1], $0xffff  }
0xd: {  	v6 =	vand.u32 $0x7, v1;
	v7 =	vshrl.u32 v1, $0x3  }
0xe: {  	v3 =	vor.u32 v4, v3;
	vm1 =	veq.s32 v1, $0x80000000;
	v53 =	vand.u32 $0x7FF, v7  }
0xf: {  	v2 =	vor.u32 v2, v3;
	v54 =	vsel vm1, $0xFFFFFFFF, v6;
	v1 =	vsel vm1, $0xFFFFFFFF, v53  }
0x10: {  	v6 =	vshll.u32 v54, $0x7;
	v3 =	vand.u32 $0xFFFFC000, v54;
	v55 =	vand.u32 $0x7F, v1  }
0x11: {  	v1 =	vshll.u32 v1, $0x3;
	v6 =	vand.u32 $0x380, v6;
	v56 =	vshrl.u32 v5, $0x3  }
0x12: {  	v1 =	vand.u32 $0xFFFFFC00, v1;
	vm1 =	veq.s32 v5, $0x80000000;
	v57 =	vand.u32 $0x7FF, v56  }
0x13: {  	v1 =	vadd.s32 v3, v1;
	v5 =	vand.u32 $0x7, v5;
	v3 =	vsel vm1, $0xFFFFFFFF, v57  }
0x14: {  	v1 =	vor.u32 v6, v1;
	v5 =	vsel vm1, $0xFFFFFFFF, v5;
	v58 =	vshll.u32 v3, $0x3  }
0x15: {  	v59 =	vshll.u32 v5, $0x7;
	v5 =	vand.u32 $0xFFFFC000, v5;
	v6 =	vand.u32 $0xFFFFFC00, v58  }
0x16: {  	v1 =	vor.u32 v55, v1;
	v61 =	vand.u32 $0x380, v59;
	v60 =	vadd.s32 v5, v6  }
0x17: {  	[tilespmem:s16], [sflag:$0x1] =	stream.indirect_vreg.gather [hbm4b:s2+s10], $0x1, v0, vm0, $0x4038;
	v62 =	vand.u32 $0x7F, v3;
	v63 =	vor.u32 v61, v60;
	[tilespmem:$0x400] =	vst v63  }
0x18: {  	(ifvalue) =	ssetifvalue $0x7FFFFFFF;
	v0 =	vor.u32 v62, v63  }
0x19: {  	[tilespmem:s15], [sflag:$0x1] =	stream.indirect_vreg.gather [hbm4b:s2+s10], $0x1, v2, vm0, $0x4038;
	[tilespmem:$0x400] =	vst v63  }
0x1a: {  	s29 =	sadd.s32 $0x10, s15;
	(ifvalue) =	ssetifvalue $0x7FFFFFFF  }
0x1b: {  	[tilespmem:s29], [sflag:$0x1] =	stream.indirect_vreg.gather [hbm4b:s2+s10], $0x1, v1, vm0, $0x4038;
	[tilespmem:$0x400] =	vst v63  }
0x1c: {  	s15 =	sadd.s32 $0x10, s29;
	(ifvalue) =	ssetifvalue $0x7FFFFFFF  }
0x1d: {  	[tilespmem:s15], [sflag:$0x1] =	stream.indirect_vreg.gather [hbm4b:s2+s10], $0x1, v0, vm0, $0x4038;
	[tilespmem:$0x400] =	vst v63  }
0x1e: {  	_ =	swait.ge [sflag:s6], $0x100  }
0x1f: {  	s30 =	sshrl.u32 s13, $0x3;
	[sflag:s6] =	ssyncset.done $0x0  }
0x20: {  	s31 =	sand.u32 $0x7, s13;
	s15 =	sadd.s32 s4, s30;
	[sflag:s6] =	ssyncadd.s32 $0xFFFFFF00  }
0x21: {  	[hbm4b:s15+s31] =	stream.linear.scatter [tilespmem:s14], [sflag:$0x3], $0x100, $0x38;
	[tilespmem:$0x400] =	vst v63  }
.LBB2_5:
0x22: {  	s15 =	sadd.s32 $0x2000, s11  }
0x23: {  	p2 =	sgt.s32 s15, $0x3FFF  }
0x24: {  	s15 =	smov.u32 @p2 s5;
	p2 =	sne.s32 s12, s9  }
.Ltmp1:
0x25: {  	p1 =	slt.u32 s12, $0x2;
	(pc) =	sbr.rel @!p2 .LBB2_6-.Ltmp1, $4  }
0x26: {  	s14 =	simm.s32 @!p1 $0x3  }
0x27: {  	s16 =	sadd.s32 $0x1, s12;
	_ =	swait.ge @!p1 [sflag:s14], $0x100  }
0x28: {  	s13 =	smov.u32 s11;
	p0 =	por !p0, !p0;
	[sflag:s14] =	ssyncset.done @!p1 $0x0  }
0x29: {  	s12 =	smov.u32 s16;
	s11 =	smov.u32 s15;
	[sflag:s14] =	ssyncadd.s32 @!p1 $0xFFFFFF00  }
.LBB2_1:
0x2a: {  	p1 =	sge.u32 s12, s8  }
0x2b: {  	s14 =	sxor.u32 @!p1 $0xFFFFFFFF, s12  }
0x2c: {  	s31 =	sadd.s32 $0xFFFFFFFF, s12;
	s15 =	sshrl.u32 @!p1 s11, $0x3;
	s14 =	sshll.u32 @!p1 s14, $0x8  }
0x2d: {  	s16 =	sand.u32 @!p1 $0x7, s11;
	s15 =	sadd.s32 @!p1 s3, s15;
	s14 =	sand.u32 @!p1 $0x100, s14  }
0x2e: {  	[tilespmem:s14], [sflag:$0x2] =	stream.linear.gather @!p1 [hbm4b:s15+s16], $0x100, $0x38;
	[tilespmem:$0x400] =	vst v63  }
0x2f: {  	p1 =	sge.u32 s31, s8  }
.Ltmp2:
0x30: {  	_ = 	snop;
	(pc) =	sbr.rel @p1 .LBB2_5-.Ltmp2, $1  }
0x31: {  	_ =	sdelay $0x3  }
0x32: {  	s14 =	simm.s32 $0x1  }
0x33: {  	_ =	swait.ge [sflag:s7], $0x100;
	s14 =	simm.s32 @!p0 $0x0  }
0x34: {  	[sflag:s7] =	ssyncset.done $0x0;
	s14 =	sshll.u32 s14, $0x8  }
0x35: {  	[sflag:s7] =	ssyncadd.s32 $0xFFFFFF00;
	(ifvalue) =	ssetifvalue $0x7FFFFFFF;
	v0 =	vld.msk [tilespmem:s14+$0x0 ss:$0x1], $0xffff;
	_ =	sdelay $0x4  }
0x36: {  	s15 =	sadd.s32 $0x10, s14;
	v2 =	vshrl.u32 v0, $0x3  }
0x37: {  	v1 =	vld.msk [tilespmem:s15+$0x0 ss:$0x1], $0xffff;
	vm1 =	veq.s32 v0, $0x80000000;
	v2 =	vand.u32 $0x7FF, v2  }
0x38: {  	v0 =	vand.u32 $0x7, v0;
	v2 =	vsel vm1, $0xFFFFFFFF, v2  }
0x39: {  	v0 =	vsel vm1, $0xFFFFFFFF, v0;
	v3 =	vshll.u32 v2, $0x3  }
0x3a: {  	v4 =	vand.u32 $0xFFFFC000, v0;
	v0 =	vshll.u32 v0, $0x7;
	v3 =	vand.u32 $0xFFFFFC00, v3  }
0x3b: {  	v0 =	vand.u32 $0x380, v0;
	v3 =	vadd.s32 v4, v3  }
0x3c: {  	v2 =	vand.u32 $0x7F, v2;
	v4 =	vshrl.u32 v1, $0x3;
	v0 =	vor.u32 v0, v3  }
0x3d: {  	vm1 =	veq.s32 v1, $0x80000000;
	v4 =	vand.u32 $0x7FF, v4;
	v0 =	vor.u32 v2, v0  }
0x3e: {  	s16 =	sshll.u32 s12, $0x8;
	s15 =	sadd.s32 $0x10, s15;
	v1 =	vand.u32 $0x7, v1;
	v3 =	vsel vm1, $0xFFFFFFFF, v4  }
0x3f: {  	s17 =	sand.u32 $0x100, s16;
	v2 =	vsel vm1, $0xFFFFFFFF, v1;
	v1 =	vld.msk [tilespmem:s15+$0x0 ss:$0x1], $0xffff;
	v4 =	vshll.u32 v3, $0x3  }
0x40: {  	s16 =	sor.u32 $0x200, s14;
	s14 =	sor.u32 $0x200, s17;
	s17 =	simm.s32 $0x30;
	v5 =	vshll.u32 v2, $0x7;
	v6 =	vand.u32 $0xFFFFC000, v2;
	v4 =	vand.u32 $0xFFFFFC00, v4  }
0x41: {  	s18 =	sadd.s32 $0x10, s15;
	(ifvalue) =	ssetifvalue $0x7FFFFFFF;
	s15 =	sadd.s32 $0x10, s16;
	v2 =	vand.u32 $0x7F, v3;
	v3 =	vadd.s32 v6, v4;
	v4 =	vand.u32 $0x380, v5  }
.LBB2_3:
0x42: {  	[tilespmem:s16], [sflag:$0x1] =	stream.indirect_vreg.gather [hbm4b:s2+s10], $0x1, v0, vm0, $0x4038;
	[tilespmem:$0x400] =	vst v63  }
0x43: {  	s17 =	sadd.s32 $0x10, s17  }
0x44: {  	v5 =	vand.u32 $0x7, v1;
	v6 =	vshrl.u32 v1, $0x3;
	v3 =	vor.u32 v4, v3;
	v0 =	vmovc v1;
	v1 =	vld.msk [tilespmem:s18+$0x0 ss:$0x1], $0xffff;
	p1 =	slt.u32 s17, $0xF0  }
.Ltmp3:
0x45: {  	s16 =	smov.u32 s15;
	vm1 =	veq.s32 v0, $0x80000000;
	v4 =	vand.u32 $0x7FF, v6;
	v0 =	vor.u32 v2, v3;
	(pc) =	sbr.rel @p1 .LBB2_3-.Ltmp3, $4  }
0x46: {  	v3 =	vsel vm1, $0xFFFFFFFF, v5;
	v4 =	vsel vm1, $0xFFFFFFFF, v4  }
0x47: {  	v2 =	vand.u32 $0x7F, v4;
	v4 =	vshll.u32 v4, $0x3;
	v5 =	vshll.u32 v3, $0x7  }
0x48: {  	v3 =	vand.u32 $0xFFFFC000, v3;
	v4 =	vand.u32 $0xFFFFFC00, v4  }
0x49: {  	s18 =	sadd.s32 $0x10, s18;
	s15 =	sadd.s32 $0x10, s15;
	v3 =	vadd.s32 v3, v4;
	v4 =	vand.u32 $0x380, v5;
	(ifvalue) =	ssetifvalue $0x7FFFFFFF  }
.Ltmp4:
0x4a: {  	_ = 	snop;
	(pc) =	sbr.rel .LBB2_4-.Ltmp4, $1  }
0x4b: {  	_ =	sdelay $0x3  }
.LBB2_6:
0x4c: {  	_ =	sfence.sel $0x180000  }
0x4d: {  	s2 =	simm.s32 $0x2;
	[bflag:$0x0] =	sbarrier.arrive $0xFFFF  }
0x4e: {  	s30 =	simm.s32 $0x3;
	[sflag:s2] =	ssyncpa.u1 $0x1  }
0x4f: {  	s31 =	simm.s32 $0x1;
	[sflag:s30] =	ssyncpa.u1 $0x1  }
0x50: {  	[sflag:s31] =	ssyncpa.u1 $0x1  }
0x51: {  	p0 =	sne.s32 s0, $0x0;
	_ =	strace $0x90000047  }
0x52: {  	s0 =	sadd.s32 @!p0 $0x100000, s1;
	[bflag:$0x2] =	sbarrier.arrive $0xFFFF  }
0x53: {  	[sflag:s0] =	ssyncadd.tile.s32 @!p0 $0x1;
	_ =	shalt  }
.Lfunc_end2:
_tile_overlayer_lowered:
.L_overlay_start_2:
0x54: {  	(tag) =	ssettag $0x2  }
0x55: {  	s0 =	rddreg [dreg:$0x0];
	s2 =	stileid.u32  }
0x56: {  	s1 =	rddreg [dreg:$0x1];
	p0 =	sne.s32 s2, $0x0  }
0x57: {  	s3 =	rddreg [dreg:$0x2];
	[bflag:$0x3] =	sbarrier.arrive $0xFFFF;
	s2 =	simm.s32 @!p0 $0x1C01  }
0x58: {  	[timem:s3], [sflag:s2] =	dma.local @!p0 [hbm:s0], s1  }
0x59: {  	s0 =	simm.s32 @!p0 $0x1  }
0x5a: {  	_ =	swait.ge @!p0 [sflag:s0], s1  }
0x5b: {  	s1 =	ssub.s32 @!p0 $0x0, s1;
	[sflag:s0] =	ssyncset.done @!p0 $0x0  }
0x5c: {  	[sflag:s0] =	ssyncadd.s32 @!p0 s1  }
0x5d: {  	[bflag:$0x3] =	sbarrier.arrive $0xFFFF  }
0x5e: {  	_ =	shalt  }

// kernel: kernel.6.cloned.1.call-start
scs
__scs_entry_jumppad:
0x0: {  	(pc) =	sbr.rel $0x88, $3  }
0x1: {  	(tag) =	ssettag $0x0;
	lr =	simm.s32 $0x1  }
0x2: {  	[smem:$0x3F9B] =	sst lr;
	_ =	strace $0xD0000000  }
0x3: {  	_ = 	snop  }
0x4: {  	_ = 	snop  }
0x5: {  	_ = 	snop  }
0x6: {  	_ = 	snop  }
0x7: {  	_ = 	snop  }
__scs_overlays_trampoline_lowered:
0x8: {  	[smem:$0x3FAA] =	sst s0  }
0x9: {  	[smem:$0x3FAB] =	sst s1  }
0xa: {  	[smem:$0x3FAC] =	sst s2  }
0xb: {  	[smem:$0x3FAD] =	sst s3  }
0xc: {  	[smem:$0x3FAE] =	sst s4  }
0xd: {  	[smem:$0x3FAF] =	sst s5  }
0xe: {  	[smem:$0x3FB0] =	sst s6  }
0xf: {  	[smem:$0x3FB1] =	sst s7  }
0x10: {  	[smem:$0x3FB2] =	sst s8  }
0x11: {  	[smem:$0x3FB3] =	sst s9;
	s0 =	simm.s32 @!p0 $0x0  }
0x12: {  	s1 =	sld [smem:$0x3F99];
	s0 =	simm.s32 @p0 $0x1  }
0x13: {  	[smem:$0x3FB4] =	sst s0;
	s0 =	simm.s32 @!p1 $0x0  }
0x14: {  	s2 =	sld [smem:$0x3F98];
	s0 =	simm.s32 @p1 $0x1  }
0x15: {  	[smem:$0x3FB5] =	sst s0;
	s0 =	simm.s32 @!p2 $0x0  }
0x16: {  	s3 =	sld [smem:$0x3FDB];
	s0 =	simm.s32 @p2 $0x1  }
0x17: {  	s4 =	simm.s32 $0x1BF5;
	[smem:$0x3FB7] =	sst s0  }
0x18: {  	s0 =	sld [smem:$0x3F9A];
	_ =	swait.ge [sflag:s4], $0x0  }
0x19: {  	s7 =	sld [smem:$0x3F9B]  }
0x1a: {  	s8 =	sadd.s32 $0xFFFFE003, lr  }
0x1b: {  	s9 =	sadd.s32 $0xFFFFFEF7, lr;
	s5 =	simm.s32 $0xFFFFFFFF;
	p2 =	slt.u32 s8, $0xFFFFF086  }
0x1c: {  	p1 =	slt.u32 s9, $0xF7A;
	s5 =	simm.s32 @!p2 $0x0  }
0x1d: {  	s5 =	simm.s32 @p1 $0x1;
	p0 =	seq.s32 s7, s2  }
0x1e: {  	s7 =	smul.u32 @!p0 $0xF7A, s2;
	p2 =	seq.s32 @!p0 s5, $0x0  }
0x1f: {  	s9 =	smul.u32 $0xF7A, s1;
	s8 =	simm.s32 @!p0 $0x1BF5;
	p2 =	por !p2, p0  }
0x20: {  	[sflag:s8] =	ssyncset.s32 @!p0 $0xFFFFF086;
	s6 =	sadd.s32 @!p0 s3, s7;
	s7 =	simm.s32 @!p0 $0x108  }
0x21: {  	s3 =	sadd.s32 s3, s9;
	s6 =	sadd.s32 @!p0 $0x88, s6;
	s7 =	simm.s32 @p2 $0x1082  }
0x22: {  	[simem:s7], [sflag:s8] =	dma.local @!p0 [hbm:s6], $0xF7A  }
0x23: {  	s9 =	sor.u32 $0xD0000000, s2;
	s6 =	simm.s32 $0x108;
	_ =	swait.ge @!p0 [sflag:s8], $0x0  }
0x24: {  	s3 =	sadd.s32 $0x88, s3;
	s6 =	simm.s32 @!p1 $0x1082;
	[sflag:s4] =	ssyncset.s32 $0xFFFFF086  }
0x25: {  	[simem:s6], [sflag:s4] =	dma.local [hbm:s3], $0xF7A  }
0x26: {  	[smem:$0x3F9B] =	sst s1;
	(tag) =	ssettag s2;
	_ =	strace s9  }
0x27: {  	s1 =	sld [smem:$0x3FAB]  }
0x28: {  	s2 =	sld [smem:$0x3FAC]  }
0x29: {  	s4 =	sld [smem:$0x3FAE]  }
0x2a: {  	p0 =	seq.s32 s5, $0x0;
	s5 =	sld [smem:$0x3FAF]  }
0x2b: {  	s6 =	sld [smem:$0x3FB0]  }
0x2c: {  	s7 =	sld [smem:$0x3FB1]  }
0x2d: {  	s3 =	simm.s32 $0x108;
	s8 =	sld [smem:$0x3FB2]  }
0x2e: {  	s3 =	simm.s32 @!p0 $0x1082;
	s9 =	sld [smem:$0x3FB3]  }
0x2f: {  	lr =	sadd.s32 s0, s3;
	s0 =	sld [smem:$0x3FAA]  }
0x30: {  	s3 =	sld [smem:$0x3FAD]  }
0x31: {  	[smem:$0x3FB6] =	sst s10  }
0x32: {  	s10 =	sld [smem:$0x3FB4];
	_ =	sdelay $0x3  }
0x33: {  	p0 =	seq.s32 s10, $0x1;
	s10 =	sld [smem:$0x3FB6];
	_ =	sdelay $0x3  }
0x34: {  	[smem:$0x3FB6] =	sst s10  }
0x35: {  	s10 =	sld [smem:$0x3FB5];
	_ =	sdelay $0x3  }
0x36: {  	p1 =	seq.s32 s10, $0x1;
	s10 =	sld [smem:$0x3FB6];
	_ =	sdelay $0x3  }
0x37: {  	[smem:$0x3FB6] =	sst s10  }
0x38: {  	s10 =	sld [smem:$0x3FB7]  }
0x39: {  	_ = 	snop;
	(pc) =	sbr.ind lr, $3  }
0x3a: {  	_ = 	snop  }
0x3b: {  	_ = 	snop  }
0x3c: {  	p2 =	seq.s32 s10, $0x1;
	s10 =	sld [smem:$0x3FB6]  }
0x3d: {  	_ =	shalt  }
0x3e: {  	_ =	shalt  }
0x3f: {  	_ =	shalt  }
0x40: {  	_ =	shalt  }
0x41: {  	_ =	shalt  }
0x42: {  	_ =	shalt  }
0x43: {  	_ =	shalt  }
0x44: {  	_ =	shalt  }
0x45: {  	_ =	shalt  }
0x46: {  	_ =	shalt  }
0x47: {  	_ =	shalt  }
0x48: {  	_ =	shalt  }
0x49: {  	_ =	shalt  }
0x4a: {  	_ =	shalt  }
0x4b: {  	_ =	shalt  }
0x4c: {  	_ =	shalt  }
0x4d: {  	_ =	shalt  }
0x4e: {  	_ =	shalt  }
0x4f: {  	_ =	shalt  }
0x50: {  	_ =	shalt  }
0x51: {  	_ =	shalt  }
0x52: {  	_ =	shalt  }
0x53: {  	_ =	shalt  }
0x54: {  	_ =	shalt  }
0x55: {  	_ =	shalt  }
0x56: {  	_ =	shalt  }
0x57: {  	_ =	shalt  }
0x58: {  	_ =	shalt  }
0x59: {  	_ =	shalt  }
0x5a: {  	_ =	shalt  }
0x5b: {  	_ =	shalt  }
0x5c: {  	_ =	shalt  }
0x5d: {  	_ =	shalt  }
0x5e: {  	_ =	shalt  }
0x5f: {  	_ =	shalt  }
0x60: {  	_ =	shalt  }
0x61: {  	_ =	shalt  }
0x62: {  	_ =	shalt  }
0x63: {  	_ =	shalt  }
0x64: {  	_ =	shalt  }
0x65: {  	_ =	shalt  }
0x66: {  	_ =	shalt  }
0x67: {  	_ =	shalt  }
0x68: {  	_ =	shalt  }
0x69: {  	_ =	shalt  }
0x6a: {  	_ =	shalt  }
0x6b: {  	_ =	shalt  }
0x6c: {  	_ =	shalt  }
0x6d: {  	_ =	shalt  }
0x6e: {  	_ =	shalt  }
0x6f: {  	_ =	shalt  }
0x70: {  	_ =	shalt  }
0x71: {  	_ =	shalt  }
0x72: {  	_ =	shalt  }
0x73: {  	_ =	shalt  }
0x74: {  	_ =	shalt  }
0x75: {  	_ =	shalt  }
0x76: {  	_ =	shalt  }
0x77: {  	_ =	shalt  }
0x78: {  	_ =	shalt  }
0x79: {  	_ =	shalt  }
0x7a: {  	_ =	shalt  }
0x7b: {  	_ =	shalt  }
0x7c: {  	_ =	shalt  }
0x7d: {  	_ =	shalt  }
0x7e: {  	_ =	shalt  }
0x7f: {  	_ =	shalt  }
0x80: {  	_ =	shalt  }
0x81: {  	_ =	shalt  }
0x82: {  	_ =	shalt  }
0x83: {  	_ =	shalt  }
0x84: {  	_ =	shalt  }
0x85: {  	_ =	shalt  }
0x86: {  	_ =	shalt  }
0x87: {  	_ =	shalt  }
.Lfunc_end0:
.L_simem_size_0:
called_computation.1_lowered:
.L_overlay_start_0:
0x88: {  	s2 =	sld [smem:$0x3FD9]  }
0x89: {  	s3 =	sld [smem:$0x3FFE];
	_ =	sdelay $0x1  }
0x8a: {  	s1 =	srdreg.scid  }
0x8b: {  	s0 =	sand.u32 $0x1, s1  }
0x8c: {  	s17 =	sshll.u32 s0, $0xA;
	s2 =	sadd.s32 s3, s2  }
0x8d: {  	s2 =	sadd.s32 s2, s17  }
0x8e: {  	[smem:$0x3FC2] =	sst s2  }
0x8f: {  	_ = 	snop  }
0x90: {  	s2 =	sld [smem:$0x3FC9];
	(tm) =	ssettm $0x1  }
0x91: {  	s18 =	sld [smem:$0x3FFB];
	_ =	sdelay $0x3  }
0x92: {  	_ =	strace s18  }
0x93: {  	s3 =	sld [smem:$0x3FFC];
	_ =	sdelay $0x3  }
0x94: {  	_ =	strace s3  }
0x95: {  	s3 =	sld [smem:$0x3FFD];
	_ =	sdelay $0x3  }
0x96: {  	_ =	strace s3  }
0x97: {  	_ =	strace $0x8FFFFFFF  }
0x98: {  	s19 =	sld [smem:$0x3FDB];
	_ =	sdelay $0x1  }
0x99: {  	s4 =	simm.s32 $_scs_section_size  }
0x9a: {  	s5 =	simm.s32 $_size__tile_overlayer_lowered;
	s6 =	simm.s32 $_tile_overlayer_lowered  }
0x9b: {  	s22 =	simm.s32 $0x1BFF;
	s21 =	sshll.u32 s6, $0x1;
	s3 =	sadd.s32 s4, s19  }
0x9c: {  	s7 =	simm.s32 $0x0;
	s20 =	sshll.u32 s5, $0x1;
	s5 =	sadd.s32 s21, s3  }
0x9d: {  	[timem:s7], [sflag:s22] =	dma.local [hbm:s5], s20  }
0x9e: {  	_ =	swait.ge [sflag:s22], s20  }
0x9f: {  	s4 =	ssub.s32 $0x0, s20;
	[sflag:s22] =	ssyncset.done $0x0  }
0xa0: {  	[sflag:s22] =	ssyncadd.s32 s4;
	_ =	sdelay $0x1  }
0xa1: {  	s23 =	simm.s32 $0x1B8B  }
0xa2: {  	_ =	swait.ge [sflag:s23], $0x1  }
0xa3: {  	[sflag:s23] =	ssyncset.done $0x0  }
0xa4: {  	s25 =	simm.s32 $0x1B8E;
	s24 =	sld [smem:$0x3FFE];
	[sflag:s23] =	ssyncadd.s32 $0xFFFFFFFF  }
0xa5: {  	s26 =	simm.s32 $execute0_lowered;
	[smem:$0x3FD2] =	sst s25  }
0xa6: {  	s5 =	sshll.u32 s26, $0x1;
	_ =	strace $0x80000049;
	[dreg:$0x1] =	wrdreg $0xFFFFFFFF  }
0xa7: {  	s28 =	simm.s32 $_size_execute0_lowered;
	s3 =	sadd.s32 s3, s5;
	[dreg:$0x0] =	wrdreg $0x0  }
0xa8: {  	s5 =	sshll.u32 s28, $0x1;
	[dreg:$0x2] =	wrdreg s3  }
0xa9: {  	[dreg:$0x3] =	wrdreg s5  }
0xaa: {  	[dreg:$0x4] =	wrdreg $0xC0  }
0xab: {  	_ =	task [dreg:s7], $0x5FFFF  }
0xac: {  	[dreg:$0x1] =	wrdreg $0xFFFFFFFF  }
0xad: {  	[dreg:$0x0] =	wrdreg $0x60  }
0xae: {  	[dreg:$0x2] =	wrdreg s2  }
0xaf: {  	[dreg:$0x3] =	wrdreg s24  }
0xb0: {  	[dreg:$0x4] =	wrdreg $0x9  }
0xb1: {  	_ =	task.clear_ibuf [dreg:s7], $0x5FFFF;
	_ =	strace $0x90000049  }
0xb2: {  	s29 =	simm.s32 $0x9;
	_ =	strace $0x8000004B  }
0xb3: {  	_ =	swait.ge [sflag:s29], $0x1  }
0xb4: {  	[sflag:s29] =	ssyncadd.s32 $0xFFFFFFFF  }
0xb5: {  	_ =	strace $0x9000004B  }
0xb6: {  	_ =	sfence  }
0xb7: {  	s30 =	sld [smem:$0x0];
	_ =	sdelay $0x2  }
0xb8: {  	s31 =	sshll.u32 s1, $0xD;
	s1 =	sshrl.u32 s1, $0x2  }
0xb9: {  	s3 =	sand.u32 $0x4000, s31;
	s1 =	sadd.s32 s1, s30  }
0xba: {  	s0 =	sor.u32 s3, s0;
	s1 =	sshll.u32 s1, $0x11  }
0xbb: {  	s0 =	sor.u32 s1, s0  }
0xbc: {  	s0 =	sadd.s32 $0x8F2B, s0  }
0xbd: {  	[sflag:s0] =	ssyncadd.remote.s32 $0x1  }
0xbe: {  	_ =	sfence.sel $0xFFFF  }
0xbf: {  	[dreg:$0x0] =	wrdreg $0xFFFFFFFF;
	(pc) =	sbr.abs _section_cstart, $3  }
0xc0: {  	[dreg:$0x1] =	wrdreg $0xFFFFFFFF  }
0xc1: {  	_ =	task.clear_ibuf [dreg:s7], $0x2FFFF;
	_ =	strace $0x9FFFFFFF  }
0xc2: {  	(tm) =	ssettm $0x7FFFFFFF  }
0xc3: {  	_ =	shalt  }
tec
execute0_lowered:
.L_overlay_start_1:
0x0: {  	(tag) =	ssettag $0x1  }
0x1: {  	s1 =	srdreg.scid  }
0x2: {  	s2 =	rddreg [dreg:$0x0];
	s0 =	stileid.u32;
	s17 =	sand.u32 $0x1, s1  }
0x3: {  	s14 =	rddreg [dreg:$0x1];
	s4 =	sshll.u32 s0, $0xA;
	s5 =	sshll.u32 s17, $0x9  }
0x4: {  	s3 =	simm.s32 $0x0;
	s1 =	rddreg [dreg:$0x2];
	s15 =	sor.u32 s5, s4  }
0x5: {  	[smem:$0x7FF] =	sst s3;
	s4 =	sshrl.u32 s15, $0x3  }
0x6: {  	_ =	strace $0x8000004A;
	s5 =	sadd.s32 s14, s4;
	s4 =	simm.s32 $0x2  }
0x7: {  	[tilespmem:s3], [sflag:$0x2] =	stream.linear.gather [hbm4b:s5+s3], $0x200, $0x38;
	[tilespmem:$0x10200] =	vst v63  }
0x8: {  	_ =	swait.ge [sflag:s4], $0x200  }
0x9: {  	[sflag:s4] =	ssyncset.done $0x0  }
0xa: {  	s6 =	simm.s32 $0x80;
	s7 =	simm.s32 $0x200;
	[sflag:s4] =	ssyncadd.s32 $0xFFFFFE00  }
0xb: {  	[tilespmem:s7], [sflag:$0x1] =	stream.indirect.gather [hbm4b:s2+s6], $0x80, s3, s6, $0xb8;
	[tilespmem:$0x10200] =	vst v63  }
0xc: {  	s8 =	simm.s32 $0x4200  }
0xd: {  	[tilespmem:s8], [sflag:$0x1] =	stream.indirect.gather [hbm4b:s2+s6], $0x80, s6, s6, $0xb8;
	[tilespmem:$0x10200] =	vst v63  }
0xe: {  	s9 =	simm.s32 $0x100;
	s10 =	simm.s32 $0x8200  }
0xf: {  	[tilespmem:s10], [sflag:$0x1] =	stream.indirect.gather [hbm4b:s2+s6], $0x80, s9, s6, $0xb8;
	[tilespmem:$0x10200] =	vst v63  }
0x10: {  	s11 =	simm.s32 $0x180;
	s12 =	simm.s32 $0xC200;
	s13 =	simm.s32 $0x1  }
0x11: {  	[tilespmem:s12], [sflag:$0x1] =	stream.indirect.gather [hbm4b:s2+s6], $0x80, s11, s6, $0xb8;
	[tilespmem:$0x10200] =	vst v63  }
0x12: {  	s15 =	sshll.u32 s15, $0x4;
	_ =	swait.ge [sflag:s13], $0x4000  }
0x13: {  	s18 =	sadd.s32 s15, s14;
	[sflag:s13] =	ssyncset.done $0x0  }
0x14: {  	s14 =	sadd.s32 $0x800, s18;
	[sflag:s13] =	ssyncadd.s32 $0xFFFFC000  }
0x15: {  	[hbm4b:s14+s3] =	stream.linear.scatter [tilespmem:s7], [sflag:$0x2], $0x4000, $0x38;
	[tilespmem:$0x10200] =	vst v63  }
0x16: {  	_ =	swait.ge [sflag:s4], $0x4000  }
0x17: {  	[sflag:s4] =	ssyncset.done $0x0  }
0x18: {  	[sflag:s4] =	ssyncadd.s32 $0xFFFFC000  }
0x19: {  	_ =	swait.ge [sflag:s13], $0x4000  }
0x1a: {  	[sflag:s13] =	ssyncset.done $0x0  }
0x1b: {  	s15 =	sadd.s32 $0x1000, s18;
	[sflag:s13] =	ssyncadd.s32 $0xFFFFC000  }
0x1c: {  	[hbm4b:s15+s3] =	stream.linear.scatter [tilespmem:s8], [sflag:$0x2], $0x4000, $0x38;
	[tilespmem:$0x10200] =	vst v63  }
0x1d: {  	_ =	swait.ge [sflag:s4], $0x4000  }
0x1e: {  	[sflag:s4] =	ssyncset.done $0x0  }
0x1f: {  	[sflag:s4] =	ssyncadd.s32 $0xFFFFC000  }
0x20: {  	_ =	swait.ge [sflag:s13], $0x4000  }
0x21: {  	[sflag:s13] =	ssyncset.done $0x0  }
0x22: {  	s17 =	ssub.s32 $0x2, s17;
	s16 =	sadd.s32 $0x1800, s18;
	[sflag:s13] =	ssyncadd.s32 $0xFFFFC000  }
0x23: {  	[hbm4b:s16+s3] =	stream.linear.scatter [tilespmem:s10], [sflag:$0x2], $0x4000, $0x38;
	[tilespmem:$0x10200] =	vst v63  }
0x24: {  	s19 =	sshrl.u32 s17, $0x1;
	_ =	swait.ge [sflag:s4], $0x4000  }
0x25: {  	s19 =	ssub.s32 s17, s19;
	[sflag:s4] =	ssyncset.done $0x0  }
0x26: {  	s31 =	smax.u32 s19, $0x1;
	[sflag:s4] =	ssyncadd.s32 $0xFFFFC000  }
0x27: {  	p0 =	sne.s32 s31, $0x1;
	_ =	swait.ge [sflag:s13], $0x4000  }
.Ltmp0:
0x28: {  	[sflag:s13] =	ssyncset.done $0x0;
	(pc) =	sbr.rel @!p0 .LBB2_2-.Ltmp0, $4  }
0x29: {  	s17 =	sadd.s32 $0x2000, s18;
	[sflag:s13] =	ssyncadd.s32 $0xFFFFC000  }
0x2a: {  	[hbm4b:s17+s3] =	stream.linear.scatter [tilespmem:s12], [sflag:$0x2], $0x4000, $0x38;
	[tilespmem:$0x10200] =	vst v63  }
0x2b: {  	_ =	swait.ge [sflag:s4], $0x4000  }
0x2c: {  	s18 =	sadd.s32 $0xFFFFFFFF, s31;
	[sflag:s4] =	ssyncset.done $0x0  }
.LBB2_1:
0x2d: {  	p0 =	sne.s32 s18, $0x1;
	s18 =	sadd.s32 $0xFFFFFFFF, s18;
	[sflag:s4] =	ssyncadd.s32 $0xFFFFC000  }
0x2e: {  	[tilespmem:s3], [sflag:$0x2] =	stream.linear.gather [hbm4b:s5+s3], $0x200, $0x38;
	[tilespmem:$0x10200] =	vst v63  }
0x2f: {  	_ =	swait.ge [sflag:s4], $0x200  }
0x30: {  	[sflag:s4] =	ssyncset.done $0x0  }
0x31: {  	[sflag:s4] =	ssyncadd.s32 $0xFFFFFE00  }
0x32: {  	[tilespmem:s7], [sflag:$0x1] =	stream.indirect.gather [hbm4b:s2+s6], $0x80, s3, s6, $0xb8;
	[tilespmem:$0x10200] =	vst v63  }
0x33: {  	_ = 	snop  }
0x34: {  	[tilespmem:s8], [sflag:$0x1] =	stream.indirect.gather [hbm4b:s2+s6], $0x80, s6, s6, $0xb8;
	[tilespmem:$0x10200] =	vst v63  }
0x35: {  	_ = 	snop  }
0x36: {  	[tilespmem:s10], [sflag:$0x1] =	stream.indirect.gather [hbm4b:s2+s6], $0x80, s9, s6, $0xb8;
	[tilespmem:$0x10200] =	vst v63  }
0x37: {  	_ = 	snop  }
0x38: {  	[tilespmem:s12], [sflag:$0x1] =	stream.indirect.gather [hbm4b:s2+s6], $0x80, s11, s6, $0xb8;
	[tilespmem:$0x10200] =	vst v63  }
0x39: {  	_ =	swait.ge [sflag:s13], $0x4000  }
0x3a: {  	[sflag:s13] =	ssyncset.done $0x0  }
0x3b: {  	[sflag:s13] =	ssyncadd.s32 $0xFFFFC000  }
0x3c: {  	[hbm4b:s14+s3] =	stream.linear.scatter [tilespmem:s7], [sflag:$0x2], $0x4000, $0x38;
	[tilespmem:$0x10200] =	vst v63  }
0x3d: {  	_ =	swait.ge [sflag:s4], $0x4000  }
0x3e: {  	[sflag:s4] =	ssyncset.done $0x0  }
0x3f: {  	[sflag:s4] =	ssyncadd.s32 $0xFFFFC000  }
0x40: {  	_ =	swait.ge [sflag:s13], $0x4000  }
0x41: {  	[sflag:s13] =	ssyncset.done $0x0  }
0x42: {  	[sflag:s13] =	ssyncadd.s32 $0xFFFFC000  }
0x43: {  	[hbm4b:s15+s3] =	stream.linear.scatter [tilespmem:s8], [sflag:$0x2], $0x4000, $0x38;
	[tilespmem:$0x10200] =	vst v63  }
0x44: {  	_ =	swait.ge [sflag:s4], $0x4000  }
0x45: {  	[sflag:s4] =	ssyncset.done $0x0  }
0x46: {  	[sflag:s4] =	ssyncadd.s32 $0xFFFFC000  }
0x47: {  	_ =	swait.ge [sflag:s13], $0x4000  }
0x48: {  	[sflag:s13] =	ssyncset.done $0x0  }
0x49: {  	[sflag:s13] =	ssyncadd.s32 $0xFFFFC000  }
0x4a: {  	[hbm4b:s16+s3] =	stream.linear.scatter [tilespmem:s10], [sflag:$0x2], $0x4000, $0x38;
	[tilespmem:$0x10200] =	vst v63  }
0x4b: {  	_ =	swait.ge [sflag:s4], $0x4000  }
0x4c: {  	[sflag:s4] =	ssyncset.done $0x0  }
0x4d: {  	[sflag:s4] =	ssyncadd.s32 $0xFFFFC000  }
0x4e: {  	_ =	swait.ge [sflag:s13], $0x4000  }
.Ltmp1:
0x4f: {  	[sflag:s13] =	ssyncset.done $0x0;
	(pc) =	sbr.rel @p0 .LBB2_1-.Ltmp1, $4  }
0x50: {  	[sflag:s13] =	ssyncadd.s32 $0xFFFFC000  }
0x51: {  	[hbm4b:s17+s3] =	stream.linear.scatter [tilespmem:s12], [sflag:$0x2], $0x4000, $0x38;
	[tilespmem:$0x10200] =	vst v63  }
0x52: {  	_ =	swait.ge [sflag:s4], $0x4000  }
0x53: {  	[sflag:s4] =	ssyncset.done $0x0  }
.LBB2_2:
0x54: {  	[sflag:s4] =	ssyncadd.s32 $0xFFFFC000  }
0x55: {  	_ =	sfence.sel $0x180000  }
0x56: {  	[bflag:$0x0] =	sbarrier.arrive $0xFFFF  }
0x57: {  	p0 =	sne.s32 s0, $0x0;
	_ =	strace $0x9000004A  }
0x58: {  	s0 =	sadd.s32 @!p0 $0x100000, s1;
	[bflag:$0x2] =	sbarrier.arrive $0xFFFF  }
0x59: {  	[sflag:s0] =	ssyncadd.tile.s32 @!p0 $0x1;
	_ =	shalt  }
.Lfunc_end2:
_tile_overlayer_lowered:
.L_overlay_start_2:
0x5a: {  	(tag) =	ssettag $0x2  }
0x5b: {  	s0 =	rddreg [dreg:$0x0];
	s2 =	stileid.u32  }
0x5c: {  	s1 =	rddreg [dreg:$0x1];
	p0 =	sne.s32 s2, $0x0  }
0x5d: {  	s3 =	rddreg [dreg:$0x2];
	[bflag:$0x3] =	sbarrier.arrive $0xFFFF;
	s2 =	simm.s32 @!p0 $0x1C02  }
0x5e: {  	[timem:s3], [sflag:s2] =	dma.local @!p0 [hbm:s0], s1  }
0x5f: {  	s0 =	simm.s32 @!p0 $0x2  }
0x60: {  	_ =	swait.ge @!p0 [sflag:s0], s1  }
0x61: {  	s1 =	ssub.s32 @!p0 $0x0, s1;
	[sflag:s0] =	ssyncset.done @!p0 $0x0  }
0x62: {  	[sflag:s0] =	ssyncadd.s32 @!p0 s1  }
0x63: {  	[bflag:$0x3] =	sbarrier.arrive $0xFFFF  }
0x64: {  	_ =	shalt  }

// kernel: kernel.9.cloned.1.call-start
scs
__scs_entry_jumppad:
0x0: {  	(pc) =	sbr.rel $0x88, $3  }
0x1: {  	(tag) =	ssettag $0x0;
	lr =	simm.s32 $0x1  }
0x2: {  	[smem:$0x3F9B] =	sst lr;
	_ =	strace $0xD0000000  }
0x3: {  	_ = 	snop  }
0x4: {  	_ = 	snop  }
0x5: {  	_ = 	snop  }
0x6: {  	_ = 	snop  }
0x7: {  	_ = 	snop  }
__scs_overlays_trampoline_lowered:
0x8: {  	[smem:$0x3FAA] =	sst s0  }
0x9: {  	[smem:$0x3FAB] =	sst s1  }
0xa: {  	[smem:$0x3FAC] =	sst s2  }
0xb: {  	[smem:$0x3FAD] =	sst s3  }
0xc: {  	[smem:$0x3FAE] =	sst s4  }
0xd: {  	[smem:$0x3FAF] =	sst s5  }
0xe: {  	[smem:$0x3FB0] =	sst s6  }
0xf: {  	[smem:$0x3FB1] =	sst s7  }
0x10: {  	[smem:$0x3FB2] =	sst s8  }
0x11: {  	[smem:$0x3FB3] =	sst s9;
	s0 =	simm.s32 @!p0 $0x0  }
0x12: {  	s1 =	sld [smem:$0x3F99];
	s0 =	simm.s32 @p0 $0x1  }
0x13: {  	[smem:$0x3FB4] =	sst s0;
	s0 =	simm.s32 @!p1 $0x0  }
0x14: {  	s2 =	sld [smem:$0x3F98];
	s0 =	simm.s32 @p1 $0x1  }
0x15: {  	[smem:$0x3FB5] =	sst s0;
	s0 =	simm.s32 @!p2 $0x0  }
0x16: {  	s3 =	sld [smem:$0x3FDB];
	s0 =	simm.s32 @p2 $0x1  }
0x17: {  	s4 =	simm.s32 $0x1BF5;
	[smem:$0x3FB7] =	sst s0  }
0x18: {  	s0 =	sld [smem:$0x3F9A];
	_ =	swait.ge [sflag:s4], $0x0  }
0x19: {  	s7 =	sld [smem:$0x3F9B]  }
0x1a: {  	s8 =	sadd.s32 $0xFFFFE003, lr  }
0x1b: {  	s9 =	sadd.s32 $0xFFFFFEF7, lr;
	s5 =	simm.s32 $0xFFFFFFFF;
	p2 =	slt.u32 s8, $0xFFFFF086  }
0x1c: {  	p1 =	slt.u32 s9, $0xF7A;
	s5 =	simm.s32 @!p2 $0x0  }
0x1d: {  	s5 =	simm.s32 @p1 $0x1;
	p0 =	seq.s32 s7, s2  }
0x1e: {  	s7 =	smul.u32 @!p0 $0xF7A, s2;
	p2 =	seq.s32 @!p0 s5, $0x0  }
0x1f: {  	s9 =	smul.u32 $0xF7A, s1;
	s8 =	simm.s32 @!p0 $0x1BF5;
	p2 =	por !p2, p0  }
0x20: {  	[sflag:s8] =	ssyncset.s32 @!p0 $0xFFFFF086;
	s6 =	sadd.s32 @!p0 s3, s7;
	s7 =	simm.s32 @!p0 $0x108  }
0x21: {  	s3 =	sadd.s32 s3, s9;
	s6 =	sadd.s32 @!p0 $0x88, s6;
	s7 =	simm.s32 @p2 $0x1082  }
0x22: {  	[simem:s7], [sflag:s8] =	dma.local @!p0 [hbm:s6], $0xF7A  }
0x23: {  	s9 =	sor.u32 $0xD0000000, s2;
	s6 =	simm.s32 $0x108;
	_ =	swait.ge @!p0 [sflag:s8], $0x0  }
0x24: {  	s3 =	sadd.s32 $0x88, s3;
	s6 =	simm.s32 @!p1 $0x1082;
	[sflag:s4] =	ssyncset.s32 $0xFFFFF086  }
0x25: {  	[simem:s6], [sflag:s4] =	dma.local [hbm:s3], $0xF7A  }
0x26: {  	[smem:$0x3F9B] =	sst s1;
	(tag) =	ssettag s2;
	_ =	strace s9  }
0x27: {  	s1 =	sld [smem:$0x3FAB]  }
0x28: {  	s2 =	sld [smem:$0x3FAC]  }
0x29: {  	s4 =	sld [smem:$0x3FAE]  }
0x2a: {  	p0 =	seq.s32 s5, $0x0;
	s5 =	sld [smem:$0x3FAF]  }
0x2b: {  	s6 =	sld [smem:$0x3FB0]  }
0x2c: {  	s7 =	sld [smem:$0x3FB1]  }
0x2d: {  	s3 =	simm.s32 $0x108;
	s8 =	sld [smem:$0x3FB2]  }
0x2e: {  	s3 =	simm.s32 @!p0 $0x1082;
	s9 =	sld [smem:$0x3FB3]  }
0x2f: {  	lr =	sadd.s32 s0, s3;
	s0 =	sld [smem:$0x3FAA]  }
0x30: {  	s3 =	sld [smem:$0x3FAD]  }
0x31: {  	[smem:$0x3FB6] =	sst s10  }
0x32: {  	s10 =	sld [smem:$0x3FB4];
	_ =	sdelay $0x3  }
0x33: {  	p0 =	seq.s32 s10, $0x1;
	s10 =	sld [smem:$0x3FB6];
	_ =	sdelay $0x3  }
0x34: {  	[smem:$0x3FB6] =	sst s10  }
0x35: {  	s10 =	sld [smem:$0x3FB5];
	_ =	sdelay $0x3  }
0x36: {  	p1 =	seq.s32 s10, $0x1;
	s10 =	sld [smem:$0x3FB6];
	_ =	sdelay $0x3  }
0x37: {  	[smem:$0x3FB6] =	sst s10  }
0x38: {  	s10 =	sld [smem:$0x3FB7]  }
0x39: {  	_ = 	snop;
	(pc) =	sbr.ind lr, $3  }
0x3a: {  	_ = 	snop  }
0x3b: {  	_ = 	snop  }
0x3c: {  	p2 =	seq.s32 s10, $0x1;
	s10 =	sld [smem:$0x3FB6]  }
0x3d: {  	_ =	shalt  }
0x3e: {  	_ =	shalt  }
0x3f: {  	_ =	shalt  }
0x40: {  	_ =	shalt  }
0x41: {  	_ =	shalt  }
0x42: {  	_ =	shalt  }
0x43: {  	_ =	shalt  }
0x44: {  	_ =	shalt  }
0x45: {  	_ =	shalt  }
0x46: {  	_ =	shalt  }
0x47: {  	_ =	shalt  }
0x48: {  	_ =	shalt  }
0x49: {  	_ =	shalt  }
0x4a: {  	_ =	shalt  }
0x4b: {  	_ =	shalt  }
0x4c: {  	_ =	shalt  }
0x4d: {  	_ =	shalt  }
0x4e: {  	_ =	shalt  }
0x4f: {  	_ =	shalt  }
0x50: {  	_ =	shalt  }
0x51: {  	_ =	shalt  }
0x52: {  	_ =	shalt  }
0x53: {  	_ =	shalt  }
0x54: {  	_ =	shalt  }
0x55: {  	_ =	shalt  }
0x56: {  	_ =	shalt  }
0x57: {  	_ =	shalt  }
0x58: {  	_ =	shalt  }
0x59: {  	_ =	shalt  }
0x5a: {  	_ =	shalt  }
0x5b: {  	_ =	shalt  }
0x5c: {  	_ =	shalt  }
0x5d: {  	_ =	shalt  }
0x5e: {  	_ =	shalt  }
0x5f: {  	_ =	shalt  }
0x60: {  	_ =	shalt  }
0x61: {  	_ =	shalt  }
0x62: {  	_ =	shalt  }
0x63: {  	_ =	shalt  }
0x64: {  	_ =	shalt  }
0x65: {  	_ =	shalt  }
0x66: {  	_ =	shalt  }
0x67: {  	_ =	shalt  }
0x68: {  	_ =	shalt  }
0x69: {  	_ =	shalt  }
0x6a: {  	_ =	shalt  }
0x6b: {  	_ =	shalt  }
0x6c: {  	_ =	shalt  }
0x6d: {  	_ =	shalt  }
0x6e: {  	_ =	shalt  }
0x6f: {  	_ =	shalt  }
0x70: {  	_ =	shalt  }
0x71: {  	_ =	shalt  }
0x72: {  	_ =	shalt  }
0x73: {  	_ =	shalt  }
0x74: {  	_ =	shalt  }
0x75: {  	_ =	shalt  }
0x76: {  	_ =	shalt  }
0x77: {  	_ =	shalt  }
0x78: {  	_ =	shalt  }
0x79: {  	_ =	shalt  }
0x7a: {  	_ =	shalt  }
0x7b: {  	_ =	shalt  }
0x7c: {  	_ =	shalt  }
0x7d: {  	_ =	shalt  }
0x7e: {  	_ =	shalt  }
0x7f: {  	_ =	shalt  }
0x80: {  	_ =	shalt  }
0x81: {  	_ =	shalt  }
0x82: {  	_ =	shalt  }
0x83: {  	_ =	shalt  }
0x84: {  	_ =	shalt  }
0x85: {  	_ =	shalt  }
0x86: {  	_ =	shalt  }
0x87: {  	_ =	shalt  }
.Lfunc_end0:
.L_simem_size_0:
called_computation.2_lowered:
.L_overlay_start_0:
0x88: {  	s2 =	sld [smem:$0x3FD9]  }
0x89: {  	s3 =	sld [smem:$0x3FFE];
	_ =	sdelay $0x1  }
0x8a: {  	s1 =	srdreg.scid  }
0x8b: {  	s0 =	sand.u32 $0x1, s1  }
0x8c: {  	s17 =	sshll.u32 s0, $0xA;
	s2 =	sadd.s32 s3, s2  }
0x8d: {  	s2 =	sadd.s32 s2, s17  }
0x8e: {  	[smem:$0x3FC2] =	sst s2  }
0x8f: {  	_ = 	snop  }
0x90: {  	s2 =	sld [smem:$0x3FD0];
	(tm) =	ssettm $0x1  }
0x91: {  	s18 =	sld [smem:$0x3FFB];
	_ =	sdelay $0x3  }
0x92: {  	_ =	strace s18  }
0x93: {  	s3 =	sld [smem:$0x3FFC];
	_ =	sdelay $0x3  }
0x94: {  	_ =	strace s3  }
0x95: {  	s3 =	sld [smem:$0x3FFD];
	_ =	sdelay $0x3  }
0x96: {  	_ =	strace s3  }
0x97: {  	_ =	strace $0x8FFFFFFF  }
0x98: {  	s19 =	sld [smem:$0x3FDB];
	_ =	sdelay $0x1  }
0x99: {  	s4 =	simm.s32 $_scs_section_size  }
0x9a: {  	s5 =	simm.s32 $_size__tile_overlayer_lowered;
	s6 =	simm.s32 $_tile_overlayer_lowered  }
0x9b: {  	s22 =	simm.s32 $0x1BFF;
	s21 =	sshll.u32 s6, $0x1;
	s3 =	sadd.s32 s4, s19  }
0x9c: {  	s7 =	simm.s32 $0x0;
	s20 =	sshll.u32 s5, $0x1;
	s5 =	sadd.s32 s21, s3  }
0x9d: {  	[timem:s7], [sflag:s22] =	dma.local [hbm:s5], s20  }
0x9e: {  	_ =	swait.ge [sflag:s22], s20  }
0x9f: {  	s4 =	ssub.s32 $0x0, s20;
	[sflag:s22] =	ssyncset.done $0x0  }
0xa0: {  	[sflag:s22] =	ssyncadd.s32 s4;
	_ =	sdelay $0x1  }
0xa1: {  	s23 =	simm.s32 $0x1B8B  }
0xa2: {  	_ =	swait.ge [sflag:s23], $0x1  }
0xa3: {  	[sflag:s23] =	ssyncset.done $0x0  }
0xa4: {  	s25 =	simm.s32 $0x1B8E;
	s24 =	sld [smem:$0x3FFE];
	[sflag:s23] =	ssyncadd.s32 $0xFFFFFFFF  }
0xa5: {  	s26 =	simm.s32 $execute0_lowered;
	[smem:$0x3FD2] =	sst s25  }
0xa6: {  	s5 =	sshll.u32 s26, $0x1;
	_ =	strace $0x8000004C;
	[dreg:$0x1] =	wrdreg $0xFFFFFFFF  }
0xa7: {  	s28 =	simm.s32 $_size_execute0_lowered;
	s3 =	sadd.s32 s3, s5;
	[dreg:$0x0] =	wrdreg $0x0  }
0xa8: {  	s5 =	sshll.u32 s28, $0x1;
	[dreg:$0x2] =	wrdreg s3  }
0xa9: {  	[dreg:$0x3] =	wrdreg s5  }
0xaa: {  	[dreg:$0x4] =	wrdreg $0xC0  }
0xab: {  	_ =	task [dreg:s7], $0x5FFFF  }
0xac: {  	[dreg:$0x1] =	wrdreg $0xFFFFFFFF  }
0xad: {  	[dreg:$0x0] =	wrdreg $0x60  }
0xae: {  	[dreg:$0x2] =	wrdreg s24  }
0xaf: {  	[dreg:$0x3] =	wrdreg s2  }
0xb0: {  	[dreg:$0x4] =	wrdreg $0x9  }
0xb1: {  	_ =	task.clear_ibuf [dreg:s7], $0x5FFFF;
	_ =	strace $0x9000004C  }
0xb2: {  	s29 =	simm.s32 $0x9;
	_ =	strace $0x8000004E  }
0xb3: {  	_ =	swait.ge [sflag:s29], $0x1  }
0xb4: {  	[sflag:s29] =	ssyncadd.s32 $0xFFFFFFFF  }
0xb5: {  	_ =	strace $0x9000004E  }
0xb6: {  	_ =	sfence  }
0xb7: {  	s30 =	sld [smem:$0x0];
	_ =	sdelay $0x2  }
0xb8: {  	s31 =	sshll.u32 s1, $0xD;
	s1 =	sshrl.u32 s1, $0x2  }
0xb9: {  	s3 =	sand.u32 $0x4000, s31;
	s1 =	sadd.s32 s1, s30  }
0xba: {  	s0 =	sor.u32 s3, s0;
	s1 =	sshll.u32 s1, $0x11  }
0xbb: {  	s0 =	sor.u32 s1, s0  }
0xbc: {  	s0 =	sadd.s32 $0x8F2B, s0  }
0xbd: {  	[sflag:s0] =	ssyncadd.remote.s32 $0x1  }
0xbe: {  	_ =	sfence.sel $0xFFFF  }
0xbf: {  	[dreg:$0x0] =	wrdreg $0xFFFFFFFF;
	(pc) =	sbr.abs _section_cstart, $3  }
0xc0: {  	[dreg:$0x1] =	wrdreg $0xFFFFFFFF  }
0xc1: {  	_ =	task.clear_ibuf [dreg:s7], $0x2FFFF;
	_ =	strace $0x9FFFFFFF  }
0xc2: {  	(tm) =	ssettm $0x7FFFFFFF  }
0xc3: {  	_ =	shalt  }
tec
execute0_lowered:
.L_overlay_start_1:
0x0: {  	(tag) =	ssettag $0x1  }
0x1: {  	s1 =	srdreg.scid  }
0x2: {  	s0 =	stileid.u32;
	s17 =	sand.u32 $0x1, s1  }
0x3: {  	s2 =	rddreg [dreg:$0x0];
	s31 =	sshll.u32 s0, $0xA;
	s3 =	sshll.u32 s17, $0x9  }
0x4: {  	s14 =	rddreg [dreg:$0x1];
	s15 =	sor.u32 s3, s31  }
0x5: {  	s1 =	rddreg [dreg:$0x2];
	s3 =	simm.s32 $0x0;
	s4 =	sshrl.u32 s15, $0x3  }
0x6: {  	[smem:$0x7FF] =	sst s3;
	s4 =	sadd.s32 s4, s2  }
0x7: {  	_ =	strace $0x8000004D;
	s5 =	sadd.s32 $0x40800, s4;
	s4 =	simm.s32 $0x2  }
0x8: {  	[tilespmem:s3], [sflag:$0x2] =	stream.linear.gather [hbm4b:s5+s3], $0x200, $0x38;
	[tilespmem:$0x10200] =	vst v63  }
0x9: {  	_ =	swait.ge [sflag:s4], $0x200  }
0xa: {  	[sflag:s4] =	ssyncset.done $0x0  }
0xb: {  	s6 =	simm.s32 $0x80;
	s7 =	simm.s32 $0x200;
	[sflag:s4] =	ssyncadd.s32 $0xFFFFFE00  }
0xc: {  	[tilespmem:s7], [sflag:$0x1] =	stream.indirect.gather [hbm4b:s2+s6], $0x80, s3, s6, $0xb8;
	[tilespmem:$0x10200] =	vst v63  }
0xd: {  	s8 =	simm.s32 $0x4200  }
0xe: {  	[tilespmem:s8], [sflag:$0x1] =	stream.indirect.gather [hbm4b:s2+s6], $0x80, s6, s6, $0xb8;
	[tilespmem:$0x10200] =	vst v63  }
0xf: {  	s9 =	simm.s32 $0x100;
	s10 =	simm.s32 $0x8200  }
0x10: {  	[tilespmem:s10], [sflag:$0x1] =	stream.indirect.gather [hbm4b:s2+s6], $0x80, s9, s6, $0xb8;
	[tilespmem:$0x10200] =	vst v63  }
0x11: {  	s11 =	simm.s32 $0x180;
	s12 =	simm.s32 $0xC200;
	s13 =	simm.s32 $0x1  }
0x12: {  	[tilespmem:s12], [sflag:$0x1] =	stream.indirect.gather [hbm4b:s2+s6], $0x80, s11, s6, $0xb8;
	[tilespmem:$0x10200] =	vst v63  }
0x13: {  	_ =	swait.ge [sflag:s13], $0x4000  }
0x14: {  	s15 =	sshll.u32 s15, $0x4;
	[sflag:s13] =	ssyncset.done $0x0  }
0x15: {  	s14 =	sadd.s32 s14, s15;
	[sflag:s13] =	ssyncadd.s32 $0xFFFFC000  }
0x16: {  	[hbm4b:s14+s3] =	stream.linear.scatter [tilespmem:s7], [sflag:$0x2], $0x4000, $0x38;
	[tilespmem:$0x10200] =	vst v63  }
0x17: {  	_ =	swait.ge [sflag:s4], $0x4000  }
0x18: {  	[sflag:s4] =	ssyncset.done $0x0  }
0x19: {  	[sflag:s4] =	ssyncadd.s32 $0xFFFFC000  }
0x1a: {  	_ =	swait.ge [sflag:s13], $0x4000  }
0x1b: {  	[sflag:s13] =	ssyncset.done $0x0  }
0x1c: {  	s15 =	sadd.s32 $0x800, s14;
	[sflag:s13] =	ssyncadd.s32 $0xFFFFC000  }
0x1d: {  	[hbm4b:s15+s3] =	stream.linear.scatter [tilespmem:s8], [sflag:$0x2], $0x4000, $0x38;
	[tilespmem:$0x10200] =	vst v63  }
0x1e: {  	_ =	swait.ge [sflag:s4], $0x4000  }
0x1f: {  	[sflag:s4] =	ssyncset.done $0x0  }
0x20: {  	[sflag:s4] =	ssyncadd.s32 $0xFFFFC000  }
0x21: {  	_ =	swait.ge [sflag:s13], $0x4000  }
0x22: {  	[sflag:s13] =	ssyncset.done $0x0  }
0x23: {  	s17 =	ssub.s32 $0x2, s17;
	s16 =	sadd.s32 $0x1000, s14;
	[sflag:s13] =	ssyncadd.s32 $0xFFFFC000  }
0x24: {  	[hbm4b:s16+s3] =	stream.linear.scatter [tilespmem:s10], [sflag:$0x2], $0x4000, $0x38;
	[tilespmem:$0x10200] =	vst v63  }
0x25: {  	s18 =	sshrl.u32 s17, $0x1;
	_ =	swait.ge [sflag:s4], $0x4000  }
0x26: {  	s18 =	ssub.s32 s17, s18;
	[sflag:s4] =	ssyncset.done $0x0  }
0x27: {  	s18 =	smax.u32 s18, $0x1;
	[sflag:s4] =	ssyncadd.s32 $0xFFFFC000  }
0x28: {  	p0 =	sne.s32 s18, $0x1;
	_ =	swait.ge [sflag:s13], $0x4000  }
.Ltmp0:
0x29: {  	[sflag:s13] =	ssyncset.done $0x0;
	(pc) =	sbr.rel @!p0 .LBB2_2-.Ltmp0, $4  }
0x2a: {  	s17 =	sadd.s32 $0x1800, s14;
	[sflag:s13] =	ssyncadd.s32 $0xFFFFC000  }
0x2b: {  	[hbm4b:s17+s3] =	stream.linear.scatter [tilespmem:s12], [sflag:$0x2], $0x4000, $0x38;
	[tilespmem:$0x10200] =	vst v63  }
0x2c: {  	_ =	swait.ge [sflag:s4], $0x4000  }
0x2d: {  	s18 =	sadd.s32 $0xFFFFFFFF, s18;
	[sflag:s4] =	ssyncset.done $0x0  }
.LBB2_1:
0x2e: {  	p0 =	sne.s32 s18, $0x1;
	s18 =	sadd.s32 $0xFFFFFFFF, s18;
	[sflag:s4] =	ssyncadd.s32 $0xFFFFC000  }
0x2f: {  	[tilespmem:s3], [sflag:$0x2] =	stream.linear.gather [hbm4b:s5+s3], $0x200, $0x38;
	[tilespmem:$0x10200] =	vst v63  }
0x30: {  	_ =	swait.ge [sflag:s4], $0x200  }
0x31: {  	[sflag:s4] =	ssyncset.done $0x0  }
0x32: {  	[sflag:s4] =	ssyncadd.s32 $0xFFFFFE00  }
0x33: {  	[tilespmem:s7], [sflag:$0x1] =	stream.indirect.gather [hbm4b:s2+s6], $0x80, s3, s6, $0xb8;
	[tilespmem:$0x10200] =	vst v63  }
0x34: {  	_ = 	snop  }
0x35: {  	[tilespmem:s8], [sflag:$0x1] =	stream.indirect.gather [hbm4b:s2+s6], $0x80, s6, s6, $0xb8;
	[tilespmem:$0x10200] =	vst v63  }
0x36: {  	_ = 	snop  }
0x37: {  	[tilespmem:s10], [sflag:$0x1] =	stream.indirect.gather [hbm4b:s2+s6], $0x80, s9, s6, $0xb8;
	[tilespmem:$0x10200] =	vst v63  }
0x38: {  	_ = 	snop  }
0x39: {  	[tilespmem:s12], [sflag:$0x1] =	stream.indirect.gather [hbm4b:s2+s6], $0x80, s11, s6, $0xb8;
	[tilespmem:$0x10200] =	vst v63  }
0x3a: {  	_ =	swait.ge [sflag:s13], $0x4000  }
0x3b: {  	[sflag:s13] =	ssyncset.done $0x0  }
0x3c: {  	[sflag:s13] =	ssyncadd.s32 $0xFFFFC000  }
0x3d: {  	[hbm4b:s14+s3] =	stream.linear.scatter [tilespmem:s7], [sflag:$0x2], $0x4000, $0x38;
	[tilespmem:$0x10200] =	vst v63  }
0x3e: {  	_ =	swait.ge [sflag:s4], $0x4000  }
0x3f: {  	[sflag:s4] =	ssyncset.done $0x0  }
0x40: {  	[sflag:s4] =	ssyncadd.s32 $0xFFFFC000  }
0x41: {  	_ =	swait.ge [sflag:s13], $0x4000  }
0x42: {  	[sflag:s13] =	ssyncset.done $0x0  }
0x43: {  	[sflag:s13] =	ssyncadd.s32 $0xFFFFC000  }
0x44: {  	[hbm4b:s15+s3] =	stream.linear.scatter [tilespmem:s8], [sflag:$0x2], $0x4000, $0x38;
	[tilespmem:$0x10200] =	vst v63  }
0x45: {  	_ =	swait.ge [sflag:s4], $0x4000  }
0x46: {  	[sflag:s4] =	ssyncset.done $0x0  }
0x47: {  	[sflag:s4] =	ssyncadd.s32 $0xFFFFC000  }
0x48: {  	_ =	swait.ge [sflag:s13], $0x4000  }
0x49: {  	[sflag:s13] =	ssyncset.done $0x0  }
0x4a: {  	[sflag:s13] =	ssyncadd.s32 $0xFFFFC000  }
0x4b: {  	[hbm4b:s16+s3] =	stream.linear.scatter [tilespmem:s10], [sflag:$0x2], $0x4000, $0x38;
	[tilespmem:$0x10200] =	vst v63  }
0x4c: {  	_ =	swait.ge [sflag:s4], $0x4000  }
0x4d: {  	[sflag:s4] =	ssyncset.done $0x0  }
0x4e: {  	[sflag:s4] =	ssyncadd.s32 $0xFFFFC000  }
0x4f: {  	_ =	swait.ge [sflag:s13], $0x4000  }
.Ltmp1:
0x50: {  	[sflag:s13] =	ssyncset.done $0x0;
	(pc) =	sbr.rel @p0 .LBB2_1-.Ltmp1, $4  }
0x51: {  	[sflag:s13] =	ssyncadd.s32 $0xFFFFC000  }
0x52: {  	[hbm4b:s17+s3] =	stream.linear.scatter [tilespmem:s12], [sflag:$0x2], $0x4000, $0x38;
	[tilespmem:$0x10200] =	vst v63  }
0x53: {  	_ =	swait.ge [sflag:s4], $0x4000  }
0x54: {  	[sflag:s4] =	ssyncset.done $0x0  }
.LBB2_2:
0x55: {  	[sflag:s4] =	ssyncadd.s32 $0xFFFFC000  }
0x56: {  	_ =	sfence.sel $0x180000  }
0x57: {  	[bflag:$0x0] =	sbarrier.arrive $0xFFFF  }
0x58: {  	p0 =	sne.s32 s0, $0x0;
	_ =	strace $0x9000004D  }
0x59: {  	s0 =	sadd.s32 @!p0 $0x100000, s1;
	[bflag:$0x2] =	sbarrier.arrive $0xFFFF  }
0x5a: {  	[sflag:s0] =	ssyncadd.tile.s32 @!p0 $0x1;
	_ =	shalt  }
.Lfunc_end2:
_tile_overlayer_lowered:
.L_overlay_start_2:
0x5b: {  	(tag) =	ssettag $0x2  }
0x5c: {  	s0 =	rddreg [dreg:$0x0];
	s2 =	stileid.u32  }
0x5d: {  	s1 =	rddreg [dreg:$0x1];
	p0 =	sne.s32 s2, $0x0  }
0x5e: {  	s3 =	rddreg [dreg:$0x2];
	[bflag:$0x3] =	sbarrier.arrive $0xFFFF;
	s2 =	simm.s32 @!p0 $0x1C02  }
0x5f: {  	[timem:s3], [sflag:s2] =	dma.local @!p0 [hbm:s0], s1  }
0x60: {  	s0 =	simm.s32 @!p0 $0x2  }
0x61: {  	_ =	swait.ge @!p0 [sflag:s0], s1  }
0x62: {  	s1 =	ssub.s32 @!p0 $0x0, s1;
	[sflag:s0] =	ssyncset.done @!p0 $0x0  }
0x63: {  	[sflag:s0] =	ssyncadd.s32 @!p0 s1  }
0x64: {  	[bflag:$0x3] =	sbarrier.arrive $0xFFFF  }
0x65: {  	_ =	shalt  }

</sc_bundles>
